<compile_context>
chip_gen: v7x
topology: tpu7x:2x2x1
jax: 0.10.2.dev20260603
libtpu: 0.0.44.dev20260713+nightly
codegen_flags: <defaults>
</compile_context>

<pallas_src>
import functools

import jax
import jax.numpy as jnp
from jax import lax
from jax.experimental import pallas as pl
from jax.experimental.pallas import tpu as pltpu
from jax.experimental.pallas import tpu_sc as plsc

N_ROWS = 100000
D = 128
NSEG = 1024
NC = 2
NS = 16
NW = NC * NS
B = 128
L = 16
NBUF = 4
FULL_BLOCKS = N_ROWS // B
TAIL = N_ROWS - FULL_BLOCKS * B
ITERS = (FULL_BLOCKS + NW - 1) // NW
ITP = 32
SEG_PER_TILE = NSEG // NS
HROWS = 16


def _sc_partials(node_feat, ids2d, seg_ids, zsum):
    mesh = plsc.VectorSubcoreMesh(core_axis_name="c", subcore_axis_name="s",
                                  num_cores=NC, num_subcores=NS)

    @functools.partial(
        pl.kernel,
        out_type=(
            jax.ShapeDtypeStruct((NC, NSEG, D), jnp.float32),
            jax.ShapeDtypeStruct((NC, HROWS, D), jnp.float32),
        ),
        mesh=mesh,
        compiler_params=pltpu.CompilerParams(needs_layout_passes=False),
        scratch_types=[
            pltpu.VMEM((ITP, B), jnp.int32),
            [pltpu.VMEM((B, D), jnp.float32)] * NBUF,
            pltpu.VMEM((SEG_PER_TILE, D), jnp.float32),
            pltpu.VMEM((TAIL,), jnp.int32),
            pltpu.VMEM((TAIL, D), jnp.float32),
            pltpu.VMEM((HROWS, D), jnp.float32),
            pltpu.VMEM((L,), jnp.int32),
            pltpu.VMEM_SHARED((NSEG, D), jnp.float32),
            pltpu.VMEM_SHARED((HROWS, D), jnp.float32),
            [pltpu.SemaphoreType.DMA] * NBUF,
            [pltpu.SemaphoreType.DMA] * NBUF,
            pltpu.SemaphoreType.DMA,
        ],
    )
    def k(feat_hbm, ids2d_hbm, ids_hbm, zsum_hbm,
          psum_hbm, pcnt_hbm,
          idx_all, rows_ring, zer_v, idx_t, rows_t, hist, idx_m,
          sum_sh, cnt_sh, sems_gr, sems_s, sem_m):
        c = lax.axis_index("c")
        s = lax.axis_index("s")
        wid = c * NS + s
        blk0 = wid * ITERS
        nslots = jnp.minimum(ITERS, FULL_BLOCKS - blk0)

        pltpu.sync_copy(ids2d_hbm.at[wid], idx_all)

        zvec = jnp.zeros((L,), jnp.float32)

        def zero_hist(r, carry):
            for kk in range(D // L):
                hist[r, pl.ds(kk * L, L)] = zvec
            return carry

        lax.fori_loop(0, HROWS, zero_hist, 0)
        pltpu.sync_copy(zsum_hbm, zer_v)
        pltpu.sync_copy(zer_v, sum_sh.at[pl.ds(s * SEG_PER_TILE, SEG_PER_TILE)])

        @pl.when(s == 0)
        def _():
            pltpu.sync_copy(hist, cnt_sh)

        idx_m[...] = lax.iota(jnp.int32, L)
        plsc.subcore_barrier()

        ones16 = jnp.ones((L,), jnp.float32)

        def count_slot(i, nvecs):
            for kk in range(nvecs):
                v = idx_all[i, pl.ds(kk * L, L)]
                row = lax.shift_right_logical(v, 7)
                col = lax.bitwise_and(v, 127)
                plsc.addupdate_scatter(hist, [row, col], ones16)

        def start_gather(b, kb):
            pltpu.async_copy(feat_hbm.at[pl.ds(b * B, B), :], rows_ring[kb],
                             sems_gr[kb])

        def wait_gather(b, kb):
            pltpu.make_async_copy(
                feat_hbm.at[pl.ds(b * B, B), :], rows_ring[kb],
                sems_gr[kb]).wait()

        for kb in range(NBUF):
            @pl.when(kb < nslots)
            def _(kb=kb):
                start_gather(blk0 + kb, kb)

        def block_body(j, carry):
            for kb in range(NBUF):
                i = NBUF * j + kb

                @pl.when(i < nslots)
                def _(i=i, kb=kb):
                    wait_gather(blk0 + i, kb)
                    d = pltpu.async_copy(
                        rows_ring[kb], sum_sh.at[idx_all.at[i]], sems_s[kb],
                        add=True)
                    count_slot(i, B // L)
                    d.wait()

                    @pl.when(i + NBUF < nslots)
                    def _():
                        start_gather(blk0 + i + NBUF, kb)

            return carry

        lax.fori_loop(0, (ITERS + NBUF - 1) // NBUF, block_body, 0)

        @pl.when(wid == NW - 1)
        def _():
            base = FULL_BLOCKS * B
            pltpu.sync_copy(ids_hbm.at[pl.ds(base, TAIL)], idx_t)
            pltpu.sync_copy(feat_hbm.at[pl.ds(base, TAIL), :], rows_t)
            d1 = pltpu.async_copy(rows_t, sum_sh.at[idx_t], sems_s[0],
                                  add=True)
            for kk in range(TAIL // L):
                v = idx_t[pl.ds(kk * L, L)]
                row = lax.shift_right_logical(v, 7)
                col = lax.bitwise_and(v, 127)
                plsc.addupdate_scatter(hist, [row, col], ones16)
            d1.wait()

        pltpu.async_copy(hist, cnt_sh.at[idx_m], sem_m, add=True).wait()

        plsc.subcore_barrier()

        seg0 = s * SEG_PER_TILE
        pltpu.sync_copy(sum_sh.at[pl.ds(seg0, SEG_PER_TILE)], zer_v)
        pltpu.sync_copy(zer_v, psum_hbm.at[c, pl.ds(seg0, SEG_PER_TILE), :])

        @pl.when(s == 0)
        def _():
            pltpu.sync_copy(cnt_sh, hist)
            pltpu.sync_copy(hist, pcnt_hbm.at[c])

    return k(node_feat, ids2d, seg_ids, zsum)


def _combine_body(psum_ref, pcnt_ref, out_ref):
    sums = psum_ref[0] + psum_ref[1]
    cnts = pcnt_ref[0] + pcnt_ref[1]
    out_ref[...] = sums / jnp.maximum(cnts, 1.0)


def kernel(node_feat, segment_ids):
    ids32 = segment_ids.astype(jnp.int32)
    ids2d = jnp.pad(ids32[: FULL_BLOCKS * B].reshape(FULL_BLOCKS, B),
                    ((0, NW * ITERS - FULL_BLOCKS), (0, 0)))
    ids2d = jnp.pad(ids2d.reshape(NW, ITERS, B), ((0, 0), (0, ITP - ITERS), (0, 0)))
    zsum = jnp.zeros((SEG_PER_TILE, D), jnp.float32)
    psum, pcnt = _sc_partials(node_feat, ids2d, ids32, zsum)
    pcnt_col = pcnt.reshape(NC, HROWS * D)[:, :NSEG, None]
    return pl.pallas_call(
        _combine_body,
        out_shape=jax.ShapeDtypeStruct((NSEG, D), jnp.float32),
    )(psum, pcnt_col)

# --- scband reference (transcript-rebuilt; emitter-appended) ---
"""Pipeline reference for scband-reduce-read-out-59442347376880 (READ-ONLY COPY).

The authoritative reference and input builder live on the scoring server;
editing this copy changes nothing except your own understanding.
"""

import jax, jax.numpy as jnp
import numpy as np

NUM_SEGMENTS = 1024

def setup_inputs(seed: int = 0) -> dict:
    key = jax.random.key(seed)
    k1, k2 = jax.random.split(key)
    node_feat = jax.random.normal(k1, (100000, 128), dtype=jnp.float32)
    segment_ids = jnp.sort(jax.random.randint(k2, (100000,), 0, NUM_SEGMENTS, dtype=jnp.int64))
    return {"node_feat": node_feat, "segment_ids": segment_ids}

def reference(node_feat, segment_ids):
    # Faithful translation of dgl.readout_nodes(g, feat='node_feat', op='mean'):
    # per-graph mean of node features over a batched graph, where segment_ids
    # assigns each node to its graph in the batch.
    sums = jax.ops.segment_sum(node_feat, segment_ids, num_segments=NUM_SEGMENTS)
    counts = jax.ops.segment_sum(jnp.ones((node_feat.shape[0],), dtype=node_feat.dtype), segment_ids, num_segments=NUM_SEGMENTS)
    counts = jnp.maximum(counts, 1.0)
    return sums / counts[:, None]

if __name__ == "__main__":
    import jax
    _d = setup_inputs()
    print(jax.jit(kernel)(*tuple(_d.values())))

</pallas_src>

<mosaic_0001>
#map = affine_map<(d0, d1) -> (0, 0)>
#map1 = affine_map<(d0, d1) -> (0, 0, 0)>
#map2 = affine_map<(d0, d1) -> (0)>
module attributes {stable_mosaic.version = 14 : i64} {
  func.func @k(%arg0: i32, %arg1: i32, %arg2: memref<100000x128xf32, #tpu.memory_space<hbm>>, %arg3: memref<32x32x128xi32, #tpu.memory_space<hbm>>, %arg4: memref<100000xi32, #tpu.memory_space<hbm>>, %arg5: memref<64x128xf32, #tpu.memory_space<hbm>>, %arg6: memref<2x1024x128xf32, #tpu.memory_space<hbm>>, %arg7: memref<2x16x128xf32, #tpu.memory_space<hbm>>, %arg8: memref<32x128xi32, #tpu.memory_space<vmem>>, %arg9: memref<128x128xf32, #tpu.memory_space<vmem>>, %arg10: memref<128x128xf32, #tpu.memory_space<vmem>>, %arg11: memref<128x128xf32, #tpu.memory_space<vmem>>, %arg12: memref<128x128xf32, #tpu.memory_space<vmem>>, %arg13: memref<64x128xf32, #tpu.memory_space<vmem>>, %arg14: memref<32xi32, #tpu.memory_space<vmem>>, %arg15: memref<32x128xf32, #tpu.memory_space<vmem>>, %arg16: memref<16x128xf32, #tpu.memory_space<vmem>>, %arg17: memref<16xi32, #tpu.memory_space<vmem>>, %arg18: memref<1024x128xf32, #tpu.memory_space<vmem_shared>>, %arg19: memref<16x128xf32, #tpu.memory_space<vmem_shared>>, %arg20: memref<!tpu.dma_semaphore, #tpu.memory_space<semaphore_mem>>, %arg21: memref<!tpu.dma_semaphore, #tpu.memory_space<semaphore_mem>>, %arg22: memref<!tpu.dma_semaphore, #tpu.memory_space<semaphore_mem>>, %arg23: memref<!tpu.dma_semaphore, #tpu.memory_space<semaphore_mem>>, %arg24: memref<!tpu.dma_semaphore, #tpu.memory_space<semaphore_mem>>, %arg25: memref<!tpu.dma_semaphore, #tpu.memory_space<semaphore_mem>>, %arg26: memref<!tpu.dma_semaphore, #tpu.memory_space<semaphore_mem>>, %arg27: memref<!tpu.dma_semaphore, #tpu.memory_space<semaphore_mem>>, %arg28: memref<!tpu.dma_semaphore, #tpu.memory_space<semaphore_mem>>) attributes {dimension_semantics = [#tpu.dimension_semantics<core_parallel>, #tpu.dimension_semantics<subcore_parallel>], iteration_bounds = array<i64: 2, 16>, scalar_prefetch = 0 : i64, scratch_operands = 21 : i64, tpu.core_type = #tpu.core_type<sc_vector_subcore>, window_params = [{transform_indices = #map}, {transform_indices = #map1}, {transform_indices = #map2}, {transform_indices = #map}, {transform_indices = #map1}, {transform_indices = #map1}]} {
    %mul3A = arith.constant 16 : i32
    %mul3A_0 = arith.muli %arg0, %mul3A : i32
    %add3A = arith.addi %mul3A_0, %arg1 : i32
    %mul3A_1 = arith.constant 25 : i32
    %mul3A_2 = arith.muli %add3A, %mul3A_1 : i32
    %sub3A = arith.constant 781 : i32
    %sub3A_3 = arith.subi %sub3A, %mul3A_2 : i32
    %min3A = arith.constant 25 : i32
    %min3A_4 = arith.minsi %min3A, %sub3A_3 : i32
    "tpu.region"() ({
      %run_scoped3A = tpu.sem_alloc : memref<!tpu.dma_semaphore, #tpu.memory_space<semaphore_mem>>
      %dma_start3A_60 = arith.constant 0 : i32
      %dma_start3A_61 = arith.constant 0 : i32
      %dma_start3A_62 = tpu.memref_slice %arg3[%add3A, %dma_start3A_60, %dma_start3A_61] : memref<32x32x128xi32, #tpu.memory_space<hbm>> -> memref<1x32x128xi32, #tpu.memory_space<hbm>>
      %dma_start3A_63 = tpu.memref_squeeze %dma_start3A_62 : memref<1x32x128xi32, #tpu.memory_space<hbm>> -> memref<32x128xi32, #tpu.memory_space<hbm>>
      %dma_start3A_64 = arith.constant 0 : i32
      %dma_start3A_65 = arith.constant 0 : i32
      %dma_start3A_66 = tpu.memref_slice %arg3[%add3A, %dma_start3A_64, %dma_start3A_65] : memref<32x32x128xi32, #tpu.memory_space<hbm>> -> memref<1x32x128xi32, #tpu.memory_space<hbm>>
      %dma_start3A_67 = tpu.memref_squeeze %dma_start3A_66 : memref<1x32x128xi32, #tpu.memory_space<hbm>> -> memref<32x128xi32, #tpu.memory_space<hbm>>
      tpu.enqueue_dma source(%dma_start3A_67 : memref<32x128xi32, #tpu.memory_space<hbm>>) target(%arg8 : memref<32x128xi32, #tpu.memory_space<vmem>>) target_semaphore(%run_scoped3A : memref<!tpu.dma_semaphore, #tpu.memory_space<semaphore_mem>>)
      %dma_wait3A_68 = arith.constant 0 : i32
      %dma_wait3A_69 = arith.constant 0 : i32
      %dma_wait3A_70 = tpu.memref_slice %arg3[%add3A, %dma_wait3A_68, %dma_wait3A_69] : memref<32x32x128xi32, #tpu.memory_space<hbm>> -> memref<1x32x128xi32, #tpu.memory_space<hbm>>
      %dma_wait3A_71 = tpu.memref_squeeze %dma_wait3A_70 : memref<1x32x128xi32, #tpu.memory_space<hbm>> -> memref<32x128xi32, #tpu.memory_space<hbm>>
      %dma_wait3A_72 = arith.constant 0 : i32
      %dma_wait3A_73 = arith.constant 0 : i32
      %dma_wait3A_74 = tpu.memref_slice %arg3[%add3A, %dma_wait3A_72, %dma_wait3A_73] : memref<32x32x128xi32, #tpu.memory_space<hbm>> -> memref<1x32x128xi32, #tpu.memory_space<hbm>>
      %dma_wait3A_75 = tpu.memref_squeeze %dma_wait3A_74 : memref<1x32x128xi32, #tpu.memory_space<hbm>> -> memref<32x128xi32, #tpu.memory_space<hbm>>
      tpu.wait_dma2 semaphore(%run_scoped3A : memref<!tpu.dma_semaphore, #tpu.memory_space<semaphore_mem>>) src(%dma_wait3A_75 : memref<32x128xi32, #tpu.memory_space<hbm>>) dst(%arg8 : memref<32x128xi32, #tpu.memory_space<vmem>>)
      tpu.yield
    }) : () -> ()
    %broadcast_in_dim3A = arith.constant 0.000000e+00 : f32
    %broadcast_in_dim3A_5 = vector.broadcast %broadcast_in_dim3A : f32 to vector<16xf32>
    %scan3A = arith.constant 0 : i32
    %scan3A_6 = arith.constant 0 : i32
    %scan3A_7 = arith.constant 16 : i32
    %scan3A_8 = arith.addi %scan3A_6, %scan3A_7 : i32
    %scan3A_9 = arith.constant 1 : i32
    scf.for %scan3A_60 = %scan3A_6 to %scan3A_8 step %scan3A_9  : i32 {
      %swap3A_61 = arith.index_cast %scan3A_60 : i32 to index
      %swap3A_62 = arith.constant 0 : index
      %swap3A_63 = tpu.vector_load %arg16[%swap3A_61, %swap3A_62] {strides = array<i32>} : memref<16x128xf32, #tpu.memory_space<vmem>>, vector<16xf32>,
      tpu.vector_store %arg16[%swap3A_61, %swap3A_62], %broadcast_in_dim3A_5 {strides = array<i32>} : memref<16x128xf32, #tpu.memory_space<vmem>>, vector<16xf32>,
      %swap3A_64 = arith.index_cast %scan3A_60 : i32 to index
      %swap3A_65 = arith.constant 16 : index
      %swap3A_66 = tpu.vector_load %arg16[%swap3A_64, %swap3A_65] {strides = array<i32>} : memref<16x128xf32, #tpu.memory_space<vmem>>, vector<16xf32>,
      tpu.vector_store %arg16[%swap3A_64, %swap3A_65], %broadcast_in_dim3A_5 {strides = array<i32>} : memref<16x128xf32, #tpu.memory_space<vmem>>, vector<16xf32>,
      %swap3A_67 = arith.index_cast %scan3A_60 : i32 to index
      %swap3A_68 = arith.constant 32 : index
      %swap3A_69 = tpu.vector_load %arg16[%swap3A_67, %swap3A_68] {strides = array<i32>} : memref<16x128xf32, #tpu.memory_space<vmem>>, vector<16xf32>,
      tpu.vector_store %arg16[%swap3A_67, %swap3A_68], %broadcast_in_dim3A_5 {strides = array<i32>} : memref<16x128xf32, #tpu.memory_space<vmem>>, vector<16xf32>,
      %swap3A_70 = arith.index_cast %scan3A_60 : i32 to index
      %swap3A_71 = arith.constant 48 : index
      %swap3A_72 = tpu.vector_load %arg16[%swap3A_70, %swap3A_71] {strides = array<i32>} : memref<16x128xf32, #tpu.memory_space<vmem>>, vector<16xf32>,
      tpu.vector_store %arg16[%swap3A_70, %swap3A_71], %broadcast_in_dim3A_5 {strides = array<i32>} : memref<16x128xf32, #tpu.memory_space<vmem>>, vector<16xf32>,
      %swap3A_73 = arith.index_cast %scan3A_60 : i32 to index
      %swap3A_74 = arith.constant 64 : index
      %swap3A_75 = tpu.vector_load %arg16[%swap3A_73, %swap3A_74] {strides = array<i32>} : memref<16x128xf32, #tpu.memory_space<vmem>>, vector<16xf32>,
      tpu.vector_store %arg16[%swap3A_73, %swap3A_74], %broadcast_in_dim3A_5 {strides = array<i32>} : memref<16x128xf32, #tpu.memory_space<vmem>>, vector<16xf32>,
      %swap3A_76 = arith.index_cast %scan3A_60 : i32 to index
      %swap3A_77 = arith.constant 80 : index
      %swap3A_78 = tpu.vector_load %arg16[%swap3A_76, %swap3A_77] {strides = array<i32>} : memref<16x128xf32, #tpu.memory_space<vmem>>, vector<16xf32>,
      tpu.vector_store %arg16[%swap3A_76, %swap3A_77], %broadcast_in_dim3A_5 {strides = array<i32>} : memref<16x128xf32, #tpu.memory_space<vmem>>, vector<16xf32>,
      %swap3A_79 = arith.index_cast %scan3A_60 : i32 to index
      %swap3A_80 = arith.constant 96 : index
      %swap3A_81 = tpu.vector_load %arg16[%swap3A_79, %swap3A_80] {strides = array<i32>} : memref<16x128xf32, #tpu.memory_space<vmem>>, vector<16xf32>,
      tpu.vector_store %arg16[%swap3A_79, %swap3A_80], %broadcast_in_dim3A_5 {strides = array<i32>} : memref<16x128xf32, #tpu.memory_space<vmem>>, vector<16xf32>,
      %swap3A_82 = arith.index_cast %scan3A_60 : i32 to index
      %swap3A_83 = arith.constant 112 : index
      %swap3A_84 = tpu.vector_load %arg16[%swap3A_82, %swap3A_83] {strides = array<i32>} : memref<16x128xf32, #tpu.memory_space<vmem>>, vector<16xf32>,
      tpu.vector_store %arg16[%swap3A_82, %swap3A_83], %broadcast_in_dim3A_5 {strides = array<i32>} : memref<16x128xf32, #tpu.memory_space<vmem>>, vector<16xf32>,
    }
    %scan3A_10 = arith.constant 16 : i32
    "tpu.region"() ({
      %run_scoped3A = tpu.sem_alloc : memref<!tpu.dma_semaphore, #tpu.memory_space<semaphore_mem>>
      tpu.enqueue_dma source(%arg5 : memref<64x128xf32, #tpu.memory_space<hbm>>) target(%arg13 : memref<64x128xf32, #tpu.memory_space<vmem>>) target_semaphore(%run_scoped3A : memref<!tpu.dma_semaphore, #tpu.memory_space<semaphore_mem>>)
      tpu.wait_dma2 semaphore(%run_scoped3A : memref<!tpu.dma_semaphore, #tpu.memory_space<semaphore_mem>>) src(%arg5 : memref<64x128xf32, #tpu.memory_space<hbm>>) dst(%arg13 : memref<64x128xf32, #tpu.memory_space<vmem>>)
      tpu.yield
    }) : () -> ()
    %mul3A_11 = arith.constant 64 : i32
    %mul3A_12 = arith.muli %arg1, %mul3A_11 : i32
    "tpu.region"() ({
      %run_scoped3A = tpu.sem_alloc : memref<!tpu.dma_semaphore, #tpu.memory_space<semaphore_mem>>
      %dma_start3A_60 = arith.constant 0 : i32
      %dma_start3A_61 = tpu.memref_slice %arg18[%mul3A_12, %dma_start3A_60] : memref<1024x128xf32, #tpu.memory_space<vmem_shared>> -> memref<64x128xf32, #tpu.memory_space<vmem_shared>>
      %dma_start3A_62 = arith.constant 0 : i32
      %dma_start3A_63 = tpu.memref_slice %arg18[%mul3A_12, %dma_start3A_62] : memref<1024x128xf32, #tpu.memory_space<vmem_shared>> -> memref<64x128xf32, #tpu.memory_space<vmem_shared>>
      tpu.enqueue_dma source(%arg13 : memref<64x128xf32, #tpu.memory_space<vmem>>) target(%dma_start3A_63 : memref<64x128xf32, #tpu.memory_space<vmem_shared>>) target_semaphore(%run_scoped3A : memref<!tpu.dma_semaphore, #tpu.memory_space<semaphore_mem>>)
      %dma_wait3A_64 = arith.constant 0 : i32
      %dma_wait3A_65 = tpu.memref_slice %arg18[%mul3A_12, %dma_wait3A_64] : memref<1024x128xf32, #tpu.memory_space<vmem_shared>> -> memref<64x128xf32, #tpu.memory_space<vmem_shared>>
      %dma_wait3A_66 = arith.constant 0 : i32
      %dma_wait3A_67 = tpu.memref_slice %arg18[%mul3A_12, %dma_wait3A_66] : memref<1024x128xf32, #tpu.memory_space<vmem_shared>> -> memref<64x128xf32, #tpu.memory_space<vmem_shared>>
      tpu.wait_dma2 semaphore(%run_scoped3A : memref<!tpu.dma_semaphore, #tpu.memory_space<semaphore_mem>>) src(%arg13 : memref<64x128xf32, #tpu.memory_space<vmem>>) dst(%dma_wait3A_67 : memref<64x128xf32, #tpu.memory_space<vmem_shared>>)
      tpu.yield
    }) : () -> ()
    %eq3A = arith.constant 0 : i32
    %eq3A_13 = arith.cmpi eq, %arg1, %eq3A : i32
    %convert_element_type3A = arith.extui %eq3A_13 : i1 to i32
    %cond3A = arith.constant 0 : i32
    %cond3A_14 = arith.cmpi ne, %convert_element_type3A, %cond3A : i32
    scf.if %cond3A_14 {
      "tpu.region"() ({
        %run_scoped3A = tpu.sem_alloc : memref<!tpu.dma_semaphore, #tpu.memory_space<semaphore_mem>>
        tpu.enqueue_dma source(%arg16 : memref<16x128xf32, #tpu.memory_space<vmem>>) target(%arg19 : memref<16x128xf32, #tpu.memory_space<vmem_shared>>) target_semaphore(%run_scoped3A : memref<!tpu.dma_semaphore, #tpu.memory_space<semaphore_mem>>)
        tpu.wait_dma2 semaphore(%run_scoped3A : memref<!tpu.dma_semaphore, #tpu.memory_space<semaphore_mem>>) src(%arg16 : memref<16x128xf32, #tpu.memory_space<vmem>>) dst(%arg19 : memref<16x128xf32, #tpu.memory_space<vmem_shared>>)
        tpu.yield
      }) : () -> ()
    } else {
    }
    %iota3A = tpu.iota {dimensions = array<i32: 0>} : vector<16xi32>
    %swap3A = arith.constant 0 : index
    %swap3A_15 = tpu.vector_load %arg17[%swap3A] {strides = array<i32>} : memref<16xi32, #tpu.memory_space<vmem>>, vector<16xi32>,
    tpu.vector_store %arg17[%swap3A], %iota3A {strides = array<i32>} : memref<16xi32, #tpu.memory_space<vmem>>, vector<16xi32>,
    %barrier3A = arith.constant 0 : index
    tpu.barrier barrier_id(%barrier3A)
    %broadcast_in_dim3A_16 = arith.constant 1.000000e+00 : f32
    %broadcast_in_dim3A_17 = vector.broadcast %broadcast_in_dim3A_16 : f32 to vector<16xf32>
    %gt3A = arith.constant 0 : i32
    %gt3A_18 = arith.cmpi sgt, %min3A_4, %gt3A : i32
    %convert_element_type3A_19 = arith.extui %gt3A_18 : i1 to i32
    %cond3A_20 = arith.constant 0 : i32
    %cond3A_21 = arith.cmpi ne, %convert_element_type3A_19, %cond3A_20 : i32
    scf.if %cond3A_21 {
      %add3A_60 = arith.constant 0 : i32
      %add3A_61 = arith.addi %mul3A_2, %add3A_60 : i32
      %mul3A_62 = arith.constant 128 : i32
      %mul3A_63 = arith.muli %add3A_61, %mul3A_62 : i32
      %dma_start3A_64 = arith.constant 0 : i32
      %dma_start3A_65 = tpu.memref_slice %arg2[%mul3A_63, %dma_start3A_64] : memref<100000x128xf32, #tpu.memory_space<hbm>> -> memref<128x128xf32, #tpu.memory_space<hbm>>
      %dma_start3A_66 = arith.constant 0 : i32
      %dma_start3A_67 = tpu.memref_slice %arg2[%mul3A_63, %dma_start3A_66] : memref<100000x128xf32, #tpu.memory_space<hbm>> -> memref<128x128xf32, #tpu.memory_space<hbm>>
      tpu.enqueue_dma source(%dma_start3A_67 : memref<128x128xf32, #tpu.memory_space<hbm>>) target(%arg9 : memref<128x128xf32, #tpu.memory_space<vmem>>) target_semaphore(%arg20 : memref<!tpu.dma_semaphore, #tpu.memory_space<semaphore_mem>>)
    } else {
    }
    %gt3A_22 = arith.constant 1 : i32
    %gt3A_23 = arith.cmpi sgt, %min3A_4, %gt3A_22 : i32
    %convert_element_type3A_24 = arith.extui %gt3A_23 : i1 to i32
    %cond3A_25 = arith.constant 0 : i32
    %cond3A_26 = arith.cmpi ne, %convert_element_type3A_24, %cond3A_25 : i32
    scf.if %cond3A_26 {
      %add3A_60 = arith.constant 1 : i32
      %add3A_61 = arith.addi %mul3A_2, %add3A_60 : i32
      %mul3A_62 = arith.constant 128 : i32
      %mul3A_63 = arith.muli %add3A_61, %mul3A_62 : i32
      %dma_start3A_64 = arith.constant 0 : i32
      %dma_start3A_65 = tpu.memref_slice %arg2[%mul3A_63, %dma_start3A_64] : memref<100000x128xf32, #tpu.memory_space<hbm>> -> memref<128x128xf32, #tpu.memory_space<hbm>>
      %dma_start3A_66 = arith.constant 0 : i32
      %dma_start3A_67 = tpu.memref_slice %arg2[%mul3A_63, %dma_start3A_66] : memref<100000x128xf32, #tpu.memory_space<hbm>> -> memref<128x128xf32, #tpu.memory_space<hbm>>
      tpu.enqueue_dma source(%dma_start3A_67 : memref<128x128xf32, #tpu.memory_space<hbm>>) target(%arg10 : memref<128x128xf32, #tpu.memory_space<vmem>>) target_semaphore(%arg21 : memref<!tpu.dma_semaphore, #tpu.memory_space<semaphore_mem>>)
    } else {
    }
    %gt3A_27 = arith.constant 2 : i32
    %gt3A_28 = arith.cmpi sgt, %min3A_4, %gt3A_27 : i32
    %convert_element_type3A_29 = arith.extui %gt3A_28 : i1 to i32
    %cond3A_30 = arith.constant 0 : i32
    %cond3A_31 = arith.cmpi ne, %convert_element_type3A_29, %cond3A_30 : i32
    scf.if %cond3A_31 {
      %add3A_60 = arith.constant 2 : i32
      %add3A_61 = arith.addi %mul3A_2, %add3A_60 : i32
      %mul3A_62 = arith.constant 128 : i32
      %mul3A_63 = arith.muli %add3A_61, %mul3A_62 : i32
      %dma_start3A_64 = arith.constant 0 : i32
      %dma_start3A_65 = tpu.memref_slice %arg2[%mul3A_63, %dma_start3A_64] : memref<100000x128xf32, #tpu.memory_space<hbm>> -> memref<128x128xf32, #tpu.memory_space<hbm>>
      %dma_start3A_66 = arith.constant 0 : i32
      %dma_start3A_67 = tpu.memref_slice %arg2[%mul3A_63, %dma_start3A_66] : memref<100000x128xf32, #tpu.memory_space<hbm>> -> memref<128x128xf32, #tpu.memory_space<hbm>>
      tpu.enqueue_dma source(%dma_start3A_67 : memref<128x128xf32, #tpu.memory_space<hbm>>) target(%arg11 : memref<128x128xf32, #tpu.memory_space<vmem>>) target_semaphore(%arg22 : memref<!tpu.dma_semaphore, #tpu.memory_space<semaphore_mem>>)
    } else {
    }
    %gt3A_32 = arith.constant 3 : i32
    %gt3A_33 = arith.cmpi sgt, %min3A_4, %gt3A_32 : i32
    %convert_element_type3A_34 = arith.extui %gt3A_33 : i1 to i32
    %cond3A_35 = arith.constant 0 : i32
    %cond3A_36 = arith.cmpi ne, %convert_element_type3A_34, %cond3A_35 : i32
    scf.if %cond3A_36 {
      %add3A_60 = arith.constant 3 : i32
      %add3A_61 = arith.addi %mul3A_2, %add3A_60 : i32
      %mul3A_62 = arith.constant 128 : i32
      %mul3A_63 = arith.muli %add3A_61, %mul3A_62 : i32
      %dma_start3A_64 = arith.constant 0 : i32
      %dma_start3A_65 = tpu.memref_slice %arg2[%mul3A_63, %dma_start3A_64] : memref<100000x128xf32, #tpu.memory_space<hbm>> -> memref<128x128xf32, #tpu.memory_space<hbm>>
      %dma_start3A_66 = arith.constant 0 : i32
      %dma_start3A_67 = tpu.memref_slice %arg2[%mul3A_63, %dma_start3A_66] : memref<100000x128xf32, #tpu.memory_space<hbm>> -> memref<128x128xf32, #tpu.memory_space<hbm>>
      tpu.enqueue_dma source(%dma_start3A_67 : memref<128x128xf32, #tpu.memory_space<hbm>>) target(%arg12 : memref<128x128xf32, #tpu.memory_space<vmem>>) target_semaphore(%arg23 : memref<!tpu.dma_semaphore, #tpu.memory_space<semaphore_mem>>)
    } else {
    }
    %scan3A_37 = arith.constant 0 : i32
    %scan3A_38 = arith.constant 0 : i32
    %scan3A_39 = arith.constant 7 : i32
    %scan3A_40 = arith.addi %scan3A_38, %scan3A_39 : i32
    %scan3A_41 = arith.constant 1 : i32
    scf.for %scan3A_60 = %scan3A_38 to %scan3A_40 step %scan3A_41  : i32 {
      %mul3A_61 = arith.constant 4 : i32
      %mul3A_62 = arith.muli %mul3A_61, %scan3A_60 : i32
      %add3A_63 = arith.constant 0 : i32
      %add3A_64 = arith.addi %mul3A_62, %add3A_63 : i32
      %lt3A = arith.cmpi slt, %add3A_64, %min3A_4 : i32
      %convert_element_type3A_65 = arith.extui %lt3A : i1 to i32
      %cond3A_66 = arith.constant 0 : i32
      %cond3A_67 = arith.cmpi ne, %convert_element_type3A_65, %cond3A_66 : i32
      scf.if %cond3A_67 {
        %add3A_92 = arith.addi %mul3A_2, %add3A_64 : i32
        %mul3A_93 = arith.constant 128 : i32
        %mul3A_94 = arith.muli %add3A_92, %mul3A_93 : i32
        %dma_wait3A_95 = arith.constant 0 : i32
        %dma_wait3A_96 = tpu.memref_slice %arg2[%mul3A_94, %dma_wait3A_95] : memref<100000x128xf32, #tpu.memory_space<hbm>> -> memref<128x128xf32, #tpu.memory_space<hbm>>
        %dma_wait3A_97 = arith.constant 0 : i32
        %dma_wait3A_98 = tpu.memref_slice %arg2[%mul3A_94, %dma_wait3A_97] : memref<100000x128xf32, #tpu.memory_space<hbm>> -> memref<128x128xf32, #tpu.memory_space<hbm>>
        tpu.wait_dma2 semaphore(%arg20 : memref<!tpu.dma_semaphore, #tpu.memory_space<semaphore_mem>>) src(%dma_wait3A_98 : memref<128x128xf32, #tpu.memory_space<hbm>>) dst(%arg9 : memref<128x128xf32, #tpu.memory_space<vmem>>)
        %dma_start3A_99 = arith.constant 0 : i32
        %dma_start3A_100 = tpu.memref_slice %arg8[%add3A_64, %dma_start3A_99] : memref<32x128xi32, #tpu.memory_space<vmem>> -> memref<1x128xi32, #tpu.memory_space<vmem>>
        %dma_start3A_101 = tpu.memref_squeeze %dma_start3A_100 : memref<1x128xi32, #tpu.memory_space<vmem>> -> memref<128xi32, #tpu.memory_space<vmem>>
        %dma_start3A_102 = arith.constant 0 : i32
        %dma_start3A_103 = arith.constant 0 : i32
        %dma_start3A_104 = tpu.memref_slice %arg18[%dma_start3A_102, %dma_start3A_103] : memref<1024x128xf32, #tpu.memory_space<vmem_shared>> -> memref<1024x128xf32, #tpu.memory_space<vmem_shared>>
        tpu.enqueue_indirect_dma source(%arg9 : memref<128x128xf32, #tpu.memory_space<vmem>>) target(%dma_start3A_104 : memref<1024x128xf32, #tpu.memory_space<vmem_shared>>) offsets(%dma_start3A_101 : memref<128xi32, #tpu.memory_space<vmem>>) semaphore(%arg24 : memref<!tpu.dma_semaphore, #tpu.memory_space<semaphore_mem>>) {add = true}
        %get3A = arith.index_cast %add3A_64 : i32 to index
        %get3A_105 = arith.constant 0 : index
        %get3A_106 = tpu.vector_load %arg8[%get3A, %get3A_105] {strides = array<i32>} : memref<32x128xi32, #tpu.memory_space<vmem>>, vector<16xi32>,
        %shift_right_logical3A = arith.constant 7 : i32
        %shift_right_logical3A_107 = vector.broadcast %shift_right_logical3A : i32 to vector<16xi32>
        %shift_right_logical3A_108 = arith.shrui %get3A_106, %shift_right_logical3A_107 : vector<16xi32>
        %and3A = arith.constant 127 : i32
        %and3A_109 = vector.broadcast %and3A : i32 to vector<16xi32>
        %and3A_110 = arith.andi %get3A_106, %and3A_109 : vector<16xi32>
        tpu.vector_store_idx %arg16[%shift_right_logical3A_108, %and3A_110], %broadcast_in_dim3A_17 {add = true} : memref<16x128xf32, #tpu.memory_space<vmem>>[vector<16xi32>, vector<16xi32>], vector<16xf32>,
        %get3A_111 = arith.index_cast %add3A_64 : i32 to index
        %get3A_112 = arith.constant 16 : index
        %get3A_113 = tpu.vector_load %arg8[%get3A_111, %get3A_112] {strides = array<i32>} : memref<32x128xi32, #tpu.memory_space<vmem>>, vector<16xi32>,
        %shift_right_logical3A_114 = arith.constant 7 : i32
        %shift_right_logical3A_115 = vector.broadcast %shift_right_logical3A_114 : i32 to vector<16xi32>
        %shift_right_logical3A_116 = arith.shrui %get3A_113, %shift_right_logical3A_115 : vector<16xi32>
        %and3A_117 = arith.constant 127 : i32
        %and3A_118 = vector.broadcast %and3A_117 : i32 to vector<16xi32>
        %and3A_119 = arith.andi %get3A_113, %and3A_118 : vector<16xi32>
        tpu.vector_store_idx %arg16[%shift_right_logical3A_116, %and3A_119], %broadcast_in_dim3A_17 {add = true} : memref<16x128xf32, #tpu.memory_space<vmem>>[vector<16xi32>, vector<16xi32>], vector<16xf32>,
        %get3A_120 = arith.index_cast %add3A_64 : i32 to index
        %get3A_121 = arith.constant 32 : index
        %get3A_122 = tpu.vector_load %arg8[%get3A_120, %get3A_121] {strides = array<i32>} : memref<32x128xi32, #tpu.memory_space<vmem>>, vector<16xi32>,
        %shift_right_logical3A_123 = arith.constant 7 : i32
        %shift_right_logical3A_124 = vector.broadcast %shift_right_logical3A_123 : i32 to vector<16xi32>
        %shift_right_logical3A_125 = arith.shrui %get3A_122, %shift_right_logical3A_124 : vector<16xi32>
        %and3A_126 = arith.constant 127 : i32
        %and3A_127 = vector.broadcast %and3A_126 : i32 to vector<16xi32>
        %and3A_128 = arith.andi %get3A_122, %and3A_127 : vector<16xi32>
        tpu.vector_store_idx %arg16[%shift_right_logical3A_125, %and3A_128], %broadcast_in_dim3A_17 {add = true} : memref<16x128xf32, #tpu.memory_space<vmem>>[vector<16xi32>, vector<16xi32>], vector<16xf32>,
        %get3A_129 = arith.index_cast %add3A_64 : i32 to index
        %get3A_130 = arith.constant 48 : index
        %get3A_131 = tpu.vector_load %arg8[%get3A_129, %get3A_130] {strides = array<i32>} : memref<32x128xi32, #tpu.memory_space<vmem>>, vector<16xi32>,
        %shift_right_logical3A_132 = arith.constant 7 : i32
        %shift_right_logical3A_133 = vector.broadcast %shift_right_logical3A_132 : i32 to vector<16xi32>
        %shift_right_logical3A_134 = arith.shrui %get3A_131, %shift_right_logical3A_133 : vector<16xi32>
        %and3A_135 = arith.constant 127 : i32
        %and3A_136 = vector.broadcast %and3A_135 : i32 to vector<16xi32>
        %and3A_137 = arith.andi %get3A_131, %and3A_136 : vector<16xi32>
        tpu.vector_store_idx %arg16[%shift_right_logical3A_134, %and3A_137], %broadcast_in_dim3A_17 {add = true} : memref<16x128xf32, #tpu.memory_space<vmem>>[vector<16xi32>, vector<16xi32>], vector<16xf32>,
        %get3A_138 = arith.index_cast %add3A_64 : i32 to index
        %get3A_139 = arith.constant 64 : index
        %get3A_140 = tpu.vector_load %arg8[%get3A_138, %get3A_139] {strides = array<i32>} : memref<32x128xi32, #tpu.memory_space<vmem>>, vector<16xi32>,
        %shift_right_logical3A_141 = arith.constant 7 : i32
        %shift_right_logical3A_142 = vector.broadcast %shift_right_logical3A_141 : i32 to vector<16xi32>
        %shift_right_logical3A_143 = arith.shrui %get3A_140, %shift_right_logical3A_142 : vector<16xi32>
        %and3A_144 = arith.constant 127 : i32
        %and3A_145 = vector.broadcast %and3A_144 : i32 to vector<16xi32>
        %and3A_146 = arith.andi %get3A_140, %and3A_145 : vector<16xi32>
        tpu.vector_store_idx %arg16[%shift_right_logical3A_143, %and3A_146], %broadcast_in_dim3A_17 {add = true} : memref<16x128xf32, #tpu.memory_space<vmem>>[vector<16xi32>, vector<16xi32>], vector<16xf32>,
        %get3A_147 = arith.index_cast %add3A_64 : i32 to index
        %get3A_148 = arith.constant 80 : index
        %get3A_149 = tpu.vector_load %arg8[%get3A_147, %get3A_148] {strides = array<i32>} : memref<32x128xi32, #tpu.memory_space<vmem>>, vector<16xi32>,
        %shift_right_logical3A_150 = arith.constant 7 : i32
        %shift_right_logical3A_151 = vector.broadcast %shift_right_logical3A_150 : i32 to vector<16xi32>
        %shift_right_logical3A_152 = arith.shrui %get3A_149, %shift_right_logical3A_151 : vector<16xi32>
        %and3A_153 = arith.constant 127 : i32
        %and3A_154 = vector.broadcast %and3A_153 : i32 to vector<16xi32>
        %and3A_155 = arith.andi %get3A_149, %and3A_154 : vector<16xi32>
        tpu.vector_store_idx %arg16[%shift_right_logical3A_152, %and3A_155], %broadcast_in_dim3A_17 {add = true} : memref<16x128xf32, #tpu.memory_space<vmem>>[vector<16xi32>, vector<16xi32>], vector<16xf32>,
        %get3A_156 = arith.index_cast %add3A_64 : i32 to index
        %get3A_157 = arith.constant 96 : index
        %get3A_158 = tpu.vector_load %arg8[%get3A_156, %get3A_157] {strides = array<i32>} : memref<32x128xi32, #tpu.memory_space<vmem>>, vector<16xi32>,
        %shift_right_logical3A_159 = arith.constant 7 : i32
        %shift_right_logical3A_160 = vector.broadcast %shift_right_logical3A_159 : i32 to vector<16xi32>
        %shift_right_logical3A_161 = arith.shrui %get3A_158, %shift_right_logical3A_160 : vector<16xi32>
        %and3A_162 = arith.constant 127 : i32
        %and3A_163 = vector.broadcast %and3A_162 : i32 to vector<16xi32>
        %and3A_164 = arith.andi %get3A_158, %and3A_163 : vector<16xi32>
        tpu.vector_store_idx %arg16[%shift_right_logical3A_161, %and3A_164], %broadcast_in_dim3A_17 {add = true} : memref<16x128xf32, #tpu.memory_space<vmem>>[vector<16xi32>, vector<16xi32>], vector<16xf32>,
        %get3A_165 = arith.index_cast %add3A_64 : i32 to index
        %get3A_166 = arith.constant 112 : index
        %get3A_167 = tpu.vector_load %arg8[%get3A_165, %get3A_166] {strides = array<i32>} : memref<32x128xi32, #tpu.memory_space<vmem>>, vector<16xi32>,
        %shift_right_logical3A_168 = arith.constant 7 : i32
        %shift_right_logical3A_169 = vector.broadcast %shift_right_logical3A_168 : i32 to vector<16xi32>
        %shift_right_logical3A_170 = arith.shrui %get3A_167, %shift_right_logical3A_169 : vector<16xi32>
        %and3A_171 = arith.constant 127 : i32
        %and3A_172 = vector.broadcast %and3A_171 : i32 to vector<16xi32>
        %and3A_173 = arith.andi %get3A_167, %and3A_172 : vector<16xi32>
        tpu.vector_store_idx %arg16[%shift_right_logical3A_170, %and3A_173], %broadcast_in_dim3A_17 {add = true} : memref<16x128xf32, #tpu.memory_space<vmem>>[vector<16xi32>, vector<16xi32>], vector<16xf32>,
        %dma_wait3A_174 = arith.constant 0 : i32
        %dma_wait3A_175 = tpu.memref_slice %arg8[%add3A_64, %dma_wait3A_174] : memref<32x128xi32, #tpu.memory_space<vmem>> -> memref<1x128xi32, #tpu.memory_space<vmem>>
        %dma_wait3A_176 = tpu.memref_squeeze %dma_wait3A_175 : memref<1x128xi32, #tpu.memory_space<vmem>> -> memref<128xi32, #tpu.memory_space<vmem>>
        %dma_wait3A_177 = arith.constant 0 : i32
        %dma_wait3A_178 = arith.constant 0 : i32
        %dma_wait3A_179 = tpu.memref_slice %arg18[%dma_wait3A_177, %dma_wait3A_178] : memref<1024x128xf32, #tpu.memory_space<vmem_shared>> -> memref<1024x128xf32, #tpu.memory_space<vmem_shared>>
        tpu.wait_indirect_dma semaphore(%arg24 : memref<!tpu.dma_semaphore, #tpu.memory_space<semaphore_mem>>) src(%arg9 : memref<128x128xf32, #tpu.memory_space<vmem>>) dst(%dma_wait3A_179 : memref<1024x128xf32, #tpu.memory_space<vmem_shared>>)
        %add3A_180 = arith.constant 4 : i32
        %add3A_181 = arith.addi %add3A_64, %add3A_180 : i32
        %lt3A_182 = arith.cmpi slt, %add3A_181, %min3A_4 : i32
        %convert_element_type3A_183 = arith.extui %lt3A_182 : i1 to i32
        %cond3A_184 = arith.constant 0 : i32
        %cond3A_185 = arith.cmpi ne, %convert_element_type3A_183, %cond3A_184 : i32
        scf.if %cond3A_185 {
          %add3A_186 = arith.addi %mul3A_2, %add3A_64 : i32
          %add3A_187 = arith.constant 4 : i32
          %add3A_188 = arith.addi %add3A_186, %add3A_187 : i32
          %mul3A_189 = arith.constant 128 : i32
          %mul3A_190 = arith.muli %add3A_188, %mul3A_189 : i32
          %dma_start3A_191 = arith.constant 0 : i32
          %dma_start3A_192 = tpu.memref_slice %arg2[%mul3A_190, %dma_start3A_191] : memref<100000x128xf32, #tpu.memory_space<hbm>> -> memref<128x128xf32, #tpu.memory_space<hbm>>
          %dma_start3A_193 = arith.constant 0 : i32
          %dma_start3A_194 = tpu.memref_slice %arg2[%mul3A_190, %dma_start3A_193] : memref<100000x128xf32, #tpu.memory_space<hbm>> -> memref<128x128xf32, #tpu.memory_space<hbm>>
          tpu.enqueue_dma source(%dma_start3A_194 : memref<128x128xf32, #tpu.memory_space<hbm>>) target(%arg9 : memref<128x128xf32, #tpu.memory_space<vmem>>) target_semaphore(%arg20 : memref<!tpu.dma_semaphore, #tpu.memory_space<semaphore_mem>>)
        } else {
        }
      } else {
      }
      %mul3A_68 = arith.constant 4 : i32
      %mul3A_69 = arith.muli %mul3A_68, %scan3A_60 : i32
      %add3A_70 = arith.constant 1 : i32
      %add3A_71 = arith.addi %mul3A_69, %add3A_70 : i32
      %lt3A_72 = arith.cmpi slt, %add3A_71, %min3A_4 : i32
      %convert_element_type3A_73 = arith.extui %lt3A_72 : i1 to i32
      %cond3A_74 = arith.constant 0 : i32
      %cond3A_75 = arith.cmpi ne, %convert_element_type3A_73, %cond3A_74 : i32
      scf.if %cond3A_75 {
        %add3A_92 = arith.addi %mul3A_2, %add3A_71 : i32
        %mul3A_93 = arith.constant 128 : i32
        %mul3A_94 = arith.muli %add3A_92, %mul3A_93 : i32
        %dma_wait3A_95 = arith.constant 0 : i32
        %dma_wait3A_96 = tpu.memref_slice %arg2[%mul3A_94, %dma_wait3A_95] : memref<100000x128xf32, #tpu.memory_space<hbm>> -> memref<128x128xf32, #tpu.memory_space<hbm>>
        %dma_wait3A_97 = arith.constant 0 : i32
        %dma_wait3A_98 = tpu.memref_slice %arg2[%mul3A_94, %dma_wait3A_97] : memref<100000x128xf32, #tpu.memory_space<hbm>> -> memref<128x128xf32, #tpu.memory_space<hbm>>
        tpu.wait_dma2 semaphore(%arg21 : memref<!tpu.dma_semaphore, #tpu.memory_space<semaphore_mem>>) src(%dma_wait3A_98 : memref<128x128xf32, #tpu.memory_space<hbm>>) dst(%arg10 : memref<128x128xf32, #tpu.memory_space<vmem>>)
        %dma_start3A_99 = arith.constant 0 : i32
        %dma_start3A_100 = tpu.memref_slice %arg8[%add3A_71, %dma_start3A_99] : memref<32x128xi32, #tpu.memory_space<vmem>> -> memref<1x128xi32, #tpu.memory_space<vmem>>
        %dma_start3A_101 = tpu.memref_squeeze %dma_start3A_100 : memref<1x128xi32, #tpu.memory_space<vmem>> -> memref<128xi32, #tpu.memory_space<vmem>>
        %dma_start3A_102 = arith.constant 0 : i32
        %dma_start3A_103 = arith.constant 0 : i32
        %dma_start3A_104 = tpu.memref_slice %arg18[%dma_start3A_102, %dma_start3A_103] : memref<1024x128xf32, #tpu.memory_space<vmem_shared>> -> memref<1024x128xf32, #tpu.memory_space<vmem_shared>>
        tpu.enqueue_indirect_dma source(%arg10 : memref<128x128xf32, #tpu.memory_space<vmem>>) target(%dma_start3A_104 : memref<1024x128xf32, #tpu.memory_space<vmem_shared>>) offsets(%dma_start3A_101 : memref<128xi32, #tpu.memory_space<vmem>>) semaphore(%arg25 : memref<!tpu.dma_semaphore, #tpu.memory_space<semaphore_mem>>) {add = true}
        %get3A = arith.index_cast %add3A_71 : i32 to index
        %get3A_105 = arith.constant 0 : index
        %get3A_106 = tpu.vector_load %arg8[%get3A, %get3A_105] {strides = array<i32>} : memref<32x128xi32, #tpu.memory_space<vmem>>, vector<16xi32>,
        %shift_right_logical3A = arith.constant 7 : i32
        %shift_right_logical3A_107 = vector.broadcast %shift_right_logical3A : i32 to vector<16xi32>
        %shift_right_logical3A_108 = arith.shrui %get3A_106, %shift_right_logical3A_107 : vector<16xi32>
        %and3A = arith.constant 127 : i32
        %and3A_109 = vector.broadcast %and3A : i32 to vector<16xi32>
        %and3A_110 = arith.andi %get3A_106, %and3A_109 : vector<16xi32>
        tpu.vector_store_idx %arg16[%shift_right_logical3A_108, %and3A_110], %broadcast_in_dim3A_17 {add = true} : memref<16x128xf32, #tpu.memory_space<vmem>>[vector<16xi32>, vector<16xi32>], vector<16xf32>,
        %get3A_111 = arith.index_cast %add3A_71 : i32 to index
        %get3A_112 = arith.constant 16 : index
        %get3A_113 = tpu.vector_load %arg8[%get3A_111, %get3A_112] {strides = array<i32>} : memref<32x128xi32, #tpu.memory_space<vmem>>, vector<16xi32>,
        %shift_right_logical3A_114 = arith.constant 7 : i32
        %shift_right_logical3A_115 = vector.broadcast %shift_right_logical3A_114 : i32 to vector<16xi32>
        %shift_right_logical3A_116 = arith.shrui %get3A_113, %shift_right_logical3A_115 : vector<16xi32>
        %and3A_117 = arith.constant 127 : i32
        %and3A_118 = vector.broadcast %and3A_117 : i32 to vector<16xi32>
        %and3A_119 = arith.andi %get3A_113, %and3A_118 : vector<16xi32>
        tpu.vector_store_idx %arg16[%shift_right_logical3A_116, %and3A_119], %broadcast_in_dim3A_17 {add = true} : memref<16x128xf32, #tpu.memory_space<vmem>>[vector<16xi32>, vector<16xi32>], vector<16xf32>,
        %get3A_120 = arith.index_cast %add3A_71 : i32 to index
        %get3A_121 = arith.constant 32 : index
        %get3A_122 = tpu.vector_load %arg8[%get3A_120, %get3A_121] {strides = array<i32>} : memref<32x128xi32, #tpu.memory_space<vmem>>, vector<16xi32>,
        %shift_right_logical3A_123 = arith.constant 7 : i32
        %shift_right_logical3A_124 = vector.broadcast %shift_right_logical3A_123 : i32 to vector<16xi32>
        %shift_right_logical3A_125 = arith.shrui %get3A_122, %shift_right_logical3A_124 : vector<16xi32>
        %and3A_126 = arith.constant 127 : i32
        %and3A_127 = vector.broadcast %and3A_126 : i32 to vector<16xi32>
        %and3A_128 = arith.andi %get3A_122, %and3A_127 : vector<16xi32>
        tpu.vector_store_idx %arg16[%shift_right_logical3A_125, %and3A_128], %broadcast_in_dim3A_17 {add = true} : memref<16x128xf32, #tpu.memory_space<vmem>>[vector<16xi32>, vector<16xi32>], vector<16xf32>,
        %get3A_129 = arith.index_cast %add3A_71 : i32 to index
        %get3A_130 = arith.constant 48 : index
        %get3A_131 = tpu.vector_load %arg8[%get3A_129, %get3A_130] {strides = array<i32>} : memref<32x128xi32, #tpu.memory_space<vmem>>, vector<16xi32>,
        %shift_right_logical3A_132 = arith.constant 7 : i32
        %shift_right_logical3A_133 = vector.broadcast %shift_right_logical3A_132 : i32 to vector<16xi32>
        %shift_right_logical3A_134 = arith.shrui %get3A_131, %shift_right_logical3A_133 : vector<16xi32>
        %and3A_135 = arith.constant 127 : i32
        %and3A_136 = vector.broadcast %and3A_135 : i32 to vector<16xi32>
        %and3A_137 = arith.andi %get3A_131, %and3A_136 : vector<16xi32>
        tpu.vector_store_idx %arg16[%shift_right_logical3A_134, %and3A_137], %broadcast_in_dim3A_17 {add = true} : memref<16x128xf32, #tpu.memory_space<vmem>>[vector<16xi32>, vector<16xi32>], vector<16xf32>,
        %get3A_138 = arith.index_cast %add3A_71 : i32 to index
        %get3A_139 = arith.constant 64 : index
        %get3A_140 = tpu.vector_load %arg8[%get3A_138, %get3A_139] {strides = array<i32>} : memref<32x128xi32, #tpu.memory_space<vmem>>, vector<16xi32>,
        %shift_right_logical3A_141 = arith.constant 7 : i32
        %shift_right_logical3A_142 = vector.broadcast %shift_right_logical3A_141 : i32 to vector<16xi32>
        %shift_right_logical3A_143 = arith.shrui %get3A_140, %shift_right_logical3A_142 : vector<16xi32>
        %and3A_144 = arith.constant 127 : i32
        %and3A_145 = vector.broadcast %and3A_144 : i32 to vector<16xi32>
        %and3A_146 = arith.andi %get3A_140, %and3A_145 : vector<16xi32>
        tpu.vector_store_idx %arg16[%shift_right_logical3A_143, %and3A_146], %broadcast_in_dim3A_17 {add = true} : memref<16x128xf32, #tpu.memory_space<vmem>>[vector<16xi32>, vector<16xi32>], vector<16xf32>,
        %get3A_147 = arith.index_cast %add3A_71 : i32 to index
        %get3A_148 = arith.constant 80 : index
        %get3A_149 = tpu.vector_load %arg8[%get3A_147, %get3A_148] {strides = array<i32>} : memref<32x128xi32, #tpu.memory_space<vmem>>, vector<16xi32>,
        %shift_right_logical3A_150 = arith.constant 7 : i32
        %shift_right_logical3A_151 = vector.broadcast %shift_right_logical3A_150 : i32 to vector<16xi32>
        %shift_right_logical3A_152 = arith.shrui %get3A_149, %shift_right_logical3A_151 : vector<16xi32>
        %and3A_153 = arith.constant 127 : i32
        %and3A_154 = vector.broadcast %and3A_153 : i32 to vector<16xi32>
        %and3A_155 = arith.andi %get3A_149, %and3A_154 : vector<16xi32>
        tpu.vector_store_idx %arg16[%shift_right_logical3A_152, %and3A_155], %broadcast_in_dim3A_17 {add = true} : memref<16x128xf32, #tpu.memory_space<vmem>>[vector<16xi32>, vector<16xi32>], vector<16xf32>,
        %get3A_156 = arith.index_cast %add3A_71 : i32 to index
        %get3A_157 = arith.constant 96 : index
        %get3A_158 = tpu.vector_load %arg8[%get3A_156, %get3A_157] {strides = array<i32>} : memref<32x128xi32, #tpu.memory_space<vmem>>, vector<16xi32>,
        %shift_right_logical3A_159 = arith.constant 7 : i32
        %shift_right_logical3A_160 = vector.broadcast %shift_right_logical3A_159 : i32 to vector<16xi32>
        %shift_right_logical3A_161 = arith.shrui %get3A_158, %shift_right_logical3A_160 : vector<16xi32>
        %and3A_162 = arith.constant 127 : i32
        %and3A_163 = vector.broadcast %and3A_162 : i32 to vector<16xi32>
        %and3A_164 = arith.andi %get3A_158, %and3A_163 : vector<16xi32>
        tpu.vector_store_idx %arg16[%shift_right_logical3A_161, %and3A_164], %broadcast_in_dim3A_17 {add = true} : memref<16x128xf32, #tpu.memory_space<vmem>>[vector<16xi32>, vector<16xi32>], vector<16xf32>,
        %get3A_165 = arith.index_cast %add3A_71 : i32 to index
        %get3A_166 = arith.constant 112 : index
        %get3A_167 = tpu.vector_load %arg8[%get3A_165, %get3A_166] {strides = array<i32>} : memref<32x128xi32, #tpu.memory_space<vmem>>, vector<16xi32>,
        %shift_right_logical3A_168 = arith.constant 7 : i32
        %shift_right_logical3A_169 = vector.broadcast %shift_right_logical3A_168 : i32 to vector<16xi32>
        %shift_right_logical3A_170 = arith.shrui %get3A_167, %shift_right_logical3A_169 : vector<16xi32>
        %and3A_171 = arith.constant 127 : i32
        %and3A_172 = vector.broadcast %and3A_171 : i32 to vector<16xi32>
        %and3A_173 = arith.andi %get3A_167, %and3A_172 : vector<16xi32>
        tpu.vector_store_idx %arg16[%shift_right_logical3A_170, %and3A_173], %broadcast_in_dim3A_17 {add = true} : memref<16x128xf32, #tpu.memory_space<vmem>>[vector<16xi32>, vector<16xi32>], vector<16xf32>,
        %dma_wait3A_174 = arith.constant 0 : i32
        %dma_wait3A_175 = tpu.memref_slice %arg8[%add3A_71, %dma_wait3A_174] : memref<32x128xi32, #tpu.memory_space<vmem>> -> memref<1x128xi32, #tpu.memory_space<vmem>>
        %dma_wait3A_176 = tpu.memref_squeeze %dma_wait3A_175 : memref<1x128xi32, #tpu.memory_space<vmem>> -> memref<128xi32, #tpu.memory_space<vmem>>
        %dma_wait3A_177 = arith.constant 0 : i32
        %dma_wait3A_178 = arith.constant 0 : i32
        %dma_wait3A_179 = tpu.memref_slice %arg18[%dma_wait3A_177, %dma_wait3A_178] : memref<1024x128xf32, #tpu.memory_space<vmem_shared>> -> memref<1024x128xf32, #tpu.memory_space<vmem_shared>>
        tpu.wait_indirect_dma semaphore(%arg25 : memref<!tpu.dma_semaphore, #tpu.memory_space<semaphore_mem>>) src(%arg10 : memref<128x128xf32, #tpu.memory_space<vmem>>) dst(%dma_wait3A_179 : memref<1024x128xf32, #tpu.memory_space<vmem_shared>>)
        %add3A_180 = arith.constant 4 : i32
        %add3A_181 = arith.addi %add3A_71, %add3A_180 : i32
        %lt3A_182 = arith.cmpi slt, %add3A_181, %min3A_4 : i32
        %convert_element_type3A_183 = arith.extui %lt3A_182 : i1 to i32
        %cond3A_184 = arith.constant 0 : i32
        %cond3A_185 = arith.cmpi ne, %convert_element_type3A_183, %cond3A_184 : i32
        scf.if %cond3A_185 {
          %add3A_186 = arith.addi %mul3A_2, %add3A_71 : i32
          %add3A_187 = arith.constant 4 : i32
          %add3A_188 = arith.addi %add3A_186, %add3A_187 : i32
          %mul3A_189 = arith.constant 128 : i32
          %mul3A_190 = arith.muli %add3A_188, %mul3A_189 : i32
          %dma_start3A_191 = arith.constant 0 : i32
          %dma_start3A_192 = tpu.memref_slice %arg2[%mul3A_190, %dma_start3A_191] : memref<100000x128xf32, #tpu.memory_space<hbm>> -> memref<128x128xf32, #tpu.memory_space<hbm>>
          %dma_start3A_193 = arith.constant 0 : i32
          %dma_start3A_194 = tpu.memref_slice %arg2[%mul3A_190, %dma_start3A_193] : memref<100000x128xf32, #tpu.memory_space<hbm>> -> memref<128x128xf32, #tpu.memory_space<hbm>>
          tpu.enqueue_dma source(%dma_start3A_194 : memref<128x128xf32, #tpu.memory_space<hbm>>) target(%arg10 : memref<128x128xf32, #tpu.memory_space<vmem>>) target_semaphore(%arg21 : memref<!tpu.dma_semaphore, #tpu.memory_space<semaphore_mem>>)
        } else {
        }
      } else {
      }
      %mul3A_76 = arith.constant 4 : i32
      %mul3A_77 = arith.muli %mul3A_76, %scan3A_60 : i32
      %add3A_78 = arith.constant 2 : i32
      %add3A_79 = arith.addi %mul3A_77, %add3A_78 : i32
      %lt3A_80 = arith.cmpi slt, %add3A_79, %min3A_4 : i32
      %convert_element_type3A_81 = arith.extui %lt3A_80 : i1 to i32
      %cond3A_82 = arith.constant 0 : i32
      %cond3A_83 = arith.cmpi ne, %convert_element_type3A_81, %cond3A_82 : i32
      scf.if %cond3A_83 {
        %add3A_92 = arith.addi %mul3A_2, %add3A_79 : i32
        %mul3A_93 = arith.constant 128 : i32
        %mul3A_94 = arith.muli %add3A_92, %mul3A_93 : i32
        %dma_wait3A_95 = arith.constant 0 : i32
        %dma_wait3A_96 = tpu.memref_slice %arg2[%mul3A_94, %dma_wait3A_95] : memref<100000x128xf32, #tpu.memory_space<hbm>> -> memref<128x128xf32, #tpu.memory_space<hbm>>
        %dma_wait3A_97 = arith.constant 0 : i32
        %dma_wait3A_98 = tpu.memref_slice %arg2[%mul3A_94, %dma_wait3A_97] : memref<100000x128xf32, #tpu.memory_space<hbm>> -> memref<128x128xf32, #tpu.memory_space<hbm>>
        tpu.wait_dma2 semaphore(%arg22 : memref<!tpu.dma_semaphore, #tpu.memory_space<semaphore_mem>>) src(%dma_wait3A_98 : memref<128x128xf32, #tpu.memory_space<hbm>>) dst(%arg11 : memref<128x128xf32, #tpu.memory_space<vmem>>)
        %dma_start3A_99 = arith.constant 0 : i32
        %dma_start3A_100 = tpu.memref_slice %arg8[%add3A_79, %dma_start3A_99] : memref<32x128xi32, #tpu.memory_space<vmem>> -> memref<1x128xi32, #tpu.memory_space<vmem>>
        %dma_start3A_101 = tpu.memref_squeeze %dma_start3A_100 : memref<1x128xi32, #tpu.memory_space<vmem>> -> memref<128xi32, #tpu.memory_space<vmem>>
        %dma_start3A_102 = arith.constant 0 : i32
        %dma_start3A_103 = arith.constant 0 : i32
        %dma_start3A_104 = tpu.memref_slice %arg18[%dma_start3A_102, %dma_start3A_103] : memref<1024x128xf32, #tpu.memory_space<vmem_shared>> -> memref<1024x128xf32, #tpu.memory_space<vmem_shared>>
        tpu.enqueue_indirect_dma source(%arg11 : memref<128x128xf32, #tpu.memory_space<vmem>>) target(%dma_start3A_104 : memref<1024x128xf32, #tpu.memory_space<vmem_shared>>) offsets(%dma_start3A_101 : memref<128xi32, #tpu.memory_space<vmem>>) semaphore(%arg26 : memref<!tpu.dma_semaphore, #tpu.memory_space<semaphore_mem>>) {add = true}
        %get3A = arith.index_cast %add3A_79 : i32 to index
        %get3A_105 = arith.constant 0 : index
        %get3A_106 = tpu.vector_load %arg8[%get3A, %get3A_105] {strides = array<i32>} : memref<32x128xi32, #tpu.memory_space<vmem>>, vector<16xi32>,
        %shift_right_logical3A = arith.constant 7 : i32
        %shift_right_logical3A_107 = vector.broadcast %shift_right_logical3A : i32 to vector<16xi32>
        %shift_right_logical3A_108 = arith.shrui %get3A_106, %shift_right_logical3A_107 : vector<16xi32>
        %and3A = arith.constant 127 : i32
        %and3A_109 = vector.broadcast %and3A : i32 to vector<16xi32>
        %and3A_110 = arith.andi %get3A_106, %and3A_109 : vector<16xi32>
        tpu.vector_store_idx %arg16[%shift_right_logical3A_108, %and3A_110], %broadcast_in_dim3A_17 {add = true} : memref<16x128xf32, #tpu.memory_space<vmem>>[vector<16xi32>, vector<16xi32>], vector<16xf32>,
        %get3A_111 = arith.index_cast %add3A_79 : i32 to index
        %get3A_112 = arith.constant 16 : index
        %get3A_113 = tpu.vector_load %arg8[%get3A_111, %get3A_112] {strides = array<i32>} : memref<32x128xi32, #tpu.memory_space<vmem>>, vector<16xi32>,
        %shift_right_logical3A_114 = arith.constant 7 : i32
        %shift_right_logical3A_115 = vector.broadcast %shift_right_logical3A_114 : i32 to vector<16xi32>
        %shift_right_logical3A_116 = arith.shrui %get3A_113, %shift_right_logical3A_115 : vector<16xi32>
        %and3A_117 = arith.constant 127 : i32
        %and3A_118 = vector.broadcast %and3A_117 : i32 to vector<16xi32>
        %and3A_119 = arith.andi %get3A_113, %and3A_118 : vector<16xi32>
        tpu.vector_store_idx %arg16[%shift_right_logical3A_116, %and3A_119], %broadcast_in_dim3A_17 {add = true} : memref<16x128xf32, #tpu.memory_space<vmem>>[vector<16xi32>, vector<16xi32>], vector<16xf32>,
        %get3A_120 = arith.index_cast %add3A_79 : i32 to index
        %get3A_121 = arith.constant 32 : index
        %get3A_122 = tpu.vector_load %arg8[%get3A_120, %get3A_121] {strides = array<i32>} : memref<32x128xi32, #tpu.memory_space<vmem>>, vector<16xi32>,
        %shift_right_logical3A_123 = arith.constant 7 : i32
        %shift_right_logical3A_124 = vector.broadcast %shift_right_logical3A_123 : i32 to vector<16xi32>
        %shift_right_logical3A_125 = arith.shrui %get3A_122, %shift_right_logical3A_124 : vector<16xi32>
        %and3A_126 = arith.constant 127 : i32
        %and3A_127 = vector.broadcast %and3A_126 : i32 to vector<16xi32>
        %and3A_128 = arith.andi %get3A_122, %and3A_127 : vector<16xi32>
        tpu.vector_store_idx %arg16[%shift_right_logical3A_125, %and3A_128], %broadcast_in_dim3A_17 {add = true} : memref<16x128xf32, #tpu.memory_space<vmem>>[vector<16xi32>, vector<16xi32>], vector<16xf32>,
        %get3A_129 = arith.index_cast %add3A_79 : i32 to index
        %get3A_130 = arith.constant 48 : index
        %get3A_131 = tpu.vector_load %arg8[%get3A_129, %get3A_130] {strides = array<i32>} : memref<32x128xi32, #tpu.memory_space<vmem>>, vector<16xi32>,
        %shift_right_logical3A_132 = arith.constant 7 : i32
        %shift_right_logical3A_133 = vector.broadcast %shift_right_logical3A_132 : i32 to vector<16xi32>
        %shift_right_logical3A_134 = arith.shrui %get3A_131, %shift_right_logical3A_133 : vector<16xi32>
        %and3A_135 = arith.constant 127 : i32
        %and3A_136 = vector.broadcast %and3A_135 : i32 to vector<16xi32>
        %and3A_137 = arith.andi %get3A_131, %and3A_136 : vector<16xi32>
        tpu.vector_store_idx %arg16[%shift_right_logical3A_134, %and3A_137], %broadcast_in_dim3A_17 {add = true} : memref<16x128xf32, #tpu.memory_space<vmem>>[vector<16xi32>, vector<16xi32>], vector<16xf32>,
        %get3A_138 = arith.index_cast %add3A_79 : i32 to index
        %get3A_139 = arith.constant 64 : index
        %get3A_140 = tpu.vector_load %arg8[%get3A_138, %get3A_139] {strides = array<i32>} : memref<32x128xi32, #tpu.memory_space<vmem>>, vector<16xi32>,
        %shift_right_logical3A_141 = arith.constant 7 : i32
        %shift_right_logical3A_142 = vector.broadcast %shift_right_logical3A_141 : i32 to vector<16xi32>
        %shift_right_logical3A_143 = arith.shrui %get3A_140, %shift_right_logical3A_142 : vector<16xi32>
        %and3A_144 = arith.constant 127 : i32
        %and3A_145 = vector.broadcast %and3A_144 : i32 to vector<16xi32>
        %and3A_146 = arith.andi %get3A_140, %and3A_145 : vector<16xi32>
        tpu.vector_store_idx %arg16[%shift_right_logical3A_143, %and3A_146], %broadcast_in_dim3A_17 {add = true} : memref<16x128xf32, #tpu.memory_space<vmem>>[vector<16xi32>, vector<16xi32>], vector<16xf32>,
        %get3A_147 = arith.index_cast %add3A_79 : i32 to index
        %get3A_148 = arith.constant 80 : index
        %get3A_149 = tpu.vector_load %arg8[%get3A_147, %get3A_148] {strides = array<i32>} : memref<32x128xi32, #tpu.memory_space<vmem>>, vector<16xi32>,
        %shift_right_logical3A_150 = arith.constant 7 : i32
        %shift_right_logical3A_151 = vector.broadcast %shift_right_logical3A_150 : i32 to vector<16xi32>
        %shift_right_logical3A_152 = arith.shrui %get3A_149, %shift_right_logical3A_151 : vector<16xi32>
        %and3A_153 = arith.constant 127 : i32
        %and3A_154 = vector.broadcast %and3A_153 : i32 to vector<16xi32>
        %and3A_155 = arith.andi %get3A_149, %and3A_154 : vector<16xi32>
        tpu.vector_store_idx %arg16[%shift_right_logical3A_152, %and3A_155], %broadcast_in_dim3A_17 {add = true} : memref<16x128xf32, #tpu.memory_space<vmem>>[vector<16xi32>, vector<16xi32>], vector<16xf32>,
        %get3A_156 = arith.index_cast %add3A_79 : i32 to index
        %get3A_157 = arith.constant 96 : index
        %get3A_158 = tpu.vector_load %arg8[%get3A_156, %get3A_157] {strides = array<i32>} : memref<32x128xi32, #tpu.memory_space<vmem>>, vector<16xi32>,
        %shift_right_logical3A_159 = arith.constant 7 : i32
        %shift_right_logical3A_160 = vector.broadcast %shift_right_logical3A_159 : i32 to vector<16xi32>
        %shift_right_logical3A_161 = arith.shrui %get3A_158, %shift_right_logical3A_160 : vector<16xi32>
        %and3A_162 = arith.constant 127 : i32
        %and3A_163 = vector.broadcast %and3A_162 : i32 to vector<16xi32>
        %and3A_164 = arith.andi %get3A_158, %and3A_163 : vector<16xi32>
        tpu.vector_store_idx %arg16[%shift_right_logical3A_161, %and3A_164], %broadcast_in_dim3A_17 {add = true} : memref<16x128xf32, #tpu.memory_space<vmem>>[vector<16xi32>, vector<16xi32>], vector<16xf32>,
        %get3A_165 = arith.index_cast %add3A_79 : i32 to index
        %get3A_166 = arith.constant 112 : index
        %get3A_167 = tpu.vector_load %arg8[%get3A_165, %get3A_166] {strides = array<i32>} : memref<32x128xi32, #tpu.memory_space<vmem>>, vector<16xi32>,
        %shift_right_logical3A_168 = arith.constant 7 : i32
        %shift_right_logical3A_169 = vector.broadcast %shift_right_logical3A_168 : i32 to vector<16xi32>
        %shift_right_logical3A_170 = arith.shrui %get3A_167, %shift_right_logical3A_169 : vector<16xi32>
        %and3A_171 = arith.constant 127 : i32
        %and3A_172 = vector.broadcast %and3A_171 : i32 to vector<16xi32>
        %and3A_173 = arith.andi %get3A_167, %and3A_172 : vector<16xi32>
        tpu.vector_store_idx %arg16[%shift_right_logical3A_170, %and3A_173], %broadcast_in_dim3A_17 {add = true} : memref<16x128xf32, #tpu.memory_space<vmem>>[vector<16xi32>, vector<16xi32>], vector<16xf32>,
        %dma_wait3A_174 = arith.constant 0 : i32
        %dma_wait3A_175 = tpu.memref_slice %arg8[%add3A_79, %dma_wait3A_174] : memref<32x128xi32, #tpu.memory_space<vmem>> -> memref<1x128xi32, #tpu.memory_space<vmem>>
        %dma_wait3A_176 = tpu.memref_squeeze %dma_wait3A_175 : memref<1x128xi32, #tpu.memory_space<vmem>> -> memref<128xi32, #tpu.memory_space<vmem>>
        %dma_wait3A_177 = arith.constant 0 : i32
        %dma_wait3A_178 = arith.constant 0 : i32
        %dma_wait3A_179 = tpu.memref_slice %arg18[%dma_wait3A_177, %dma_wait3A_178] : memref<1024x128xf32, #tpu.memory_space<vmem_shared>> -> memref<1024x128xf32, #tpu.memory_space<vmem_shared>>
        tpu.wait_indirect_dma semaphore(%arg26 : memref<!tpu.dma_semaphore, #tpu.memory_space<semaphore_mem>>) src(%arg11 : memref<128x128xf32, #tpu.memory_space<vmem>>) dst(%dma_wait3A_179 : memref<1024x128xf32, #tpu.memory_space<vmem_shared>>)
        %add3A_180 = arith.constant 4 : i32
        %add3A_181 = arith.addi %add3A_79, %add3A_180 : i32
        %lt3A_182 = arith.cmpi slt, %add3A_181, %min3A_4 : i32
        %convert_element_type3A_183 = arith.extui %lt3A_182 : i1 to i32
        %cond3A_184 = arith.constant 0 : i32
        %cond3A_185 = arith.cmpi ne, %convert_element_type3A_183, %cond3A_184 : i32
        scf.if %cond3A_185 {
          %add3A_186 = arith.addi %mul3A_2, %add3A_79 : i32
          %add3A_187 = arith.constant 4 : i32
          %add3A_188 = arith.addi %add3A_186, %add3A_187 : i32
          %mul3A_189 = arith.constant 128 : i32
          %mul3A_190 = arith.muli %add3A_188, %mul3A_189 : i32
          %dma_start3A_191 = arith.constant 0 : i32
          %dma_start3A_192 = tpu.memref_slice %arg2[%mul3A_190, %dma_start3A_191] : memref<100000x128xf32, #tpu.memory_space<hbm>> -> memref<128x128xf32, #tpu.memory_space<hbm>>
          %dma_start3A_193 = arith.constant 0 : i32
          %dma_start3A_194 = tpu.memref_slice %arg2[%mul3A_190, %dma_start3A_193] : memref<100000x128xf32, #tpu.memory_space<hbm>> -> memref<128x128xf32, #tpu.memory_space<hbm>>
          tpu.enqueue_dma source(%dma_start3A_194 : memref<128x128xf32, #tpu.memory_space<hbm>>) target(%arg11 : memref<128x128xf32, #tpu.memory_space<vmem>>) target_semaphore(%arg22 : memref<!tpu.dma_semaphore, #tpu.memory_space<semaphore_mem>>)
        } else {
        }
      } else {
      }
      %mul3A_84 = arith.constant 4 : i32
      %mul3A_85 = arith.muli %mul3A_84, %scan3A_60 : i32
      %add3A_86 = arith.constant 3 : i32
      %add3A_87 = arith.addi %mul3A_85, %add3A_86 : i32
      %lt3A_88 = arith.cmpi slt, %add3A_87, %min3A_4 : i32
      %convert_element_type3A_89 = arith.extui %lt3A_88 : i1 to i32
      %cond3A_90 = arith.constant 0 : i32
      %cond3A_91 = arith.cmpi ne, %convert_element_type3A_89, %cond3A_90 : i32
      scf.if %cond3A_91 {
        %add3A_92 = arith.addi %mul3A_2, %add3A_87 : i32
        %mul3A_93 = arith.constant 128 : i32
        %mul3A_94 = arith.muli %add3A_92, %mul3A_93 : i32
        %dma_wait3A_95 = arith.constant 0 : i32
        %dma_wait3A_96 = tpu.memref_slice %arg2[%mul3A_94, %dma_wait3A_95] : memref<100000x128xf32, #tpu.memory_space<hbm>> -> memref<128x128xf32, #tpu.memory_space<hbm>>
        %dma_wait3A_97 = arith.constant 0 : i32
        %dma_wait3A_98 = tpu.memref_slice %arg2[%mul3A_94, %dma_wait3A_97] : memref<100000x128xf32, #tpu.memory_space<hbm>> -> memref<128x128xf32, #tpu.memory_space<hbm>>
        tpu.wait_dma2 semaphore(%arg23 : memref<!tpu.dma_semaphore, #tpu.memory_space<semaphore_mem>>) src(%dma_wait3A_98 : memref<128x128xf32, #tpu.memory_space<hbm>>) dst(%arg12 : memref<128x128xf32, #tpu.memory_space<vmem>>)
        %dma_start3A_99 = arith.constant 0 : i32
        %dma_start3A_100 = tpu.memref_slice %arg8[%add3A_87, %dma_start3A_99] : memref<32x128xi32, #tpu.memory_space<vmem>> -> memref<1x128xi32, #tpu.memory_space<vmem>>
        %dma_start3A_101 = tpu.memref_squeeze %dma_start3A_100 : memref<1x128xi32, #tpu.memory_space<vmem>> -> memref<128xi32, #tpu.memory_space<vmem>>
        %dma_start3A_102 = arith.constant 0 : i32
        %dma_start3A_103 = arith.constant 0 : i32
        %dma_start3A_104 = tpu.memref_slice %arg18[%dma_start3A_102, %dma_start3A_103] : memref<1024x128xf32, #tpu.memory_space<vmem_shared>> -> memref<1024x128xf32, #tpu.memory_space<vmem_shared>>
        tpu.enqueue_indirect_dma source(%arg12 : memref<128x128xf32, #tpu.memory_space<vmem>>) target(%dma_start3A_104 : memref<1024x128xf32, #tpu.memory_space<vmem_shared>>) offsets(%dma_start3A_101 : memref<128xi32, #tpu.memory_space<vmem>>) semaphore(%arg27 : memref<!tpu.dma_semaphore, #tpu.memory_space<semaphore_mem>>) {add = true}
        %get3A = arith.index_cast %add3A_87 : i32 to index
        %get3A_105 = arith.constant 0 : index
        %get3A_106 = tpu.vector_load %arg8[%get3A, %get3A_105] {strides = array<i32>} : memref<32x128xi32, #tpu.memory_space<vmem>>, vector<16xi32>,
        %shift_right_logical3A = arith.constant 7 : i32
        %shift_right_logical3A_107 = vector.broadcast %shift_right_logical3A : i32 to vector<16xi32>
        %shift_right_logical3A_108 = arith.shrui %get3A_106, %shift_right_logical3A_107 : vector<16xi32>
        %and3A = arith.constant 127 : i32
        %and3A_109 = vector.broadcast %and3A : i32 to vector<16xi32>
        %and3A_110 = arith.andi %get3A_106, %and3A_109 : vector<16xi32>
        tpu.vector_store_idx %arg16[%shift_right_logical3A_108, %and3A_110], %broadcast_in_dim3A_17 {add = true} : memref<16x128xf32, #tpu.memory_space<vmem>>[vector<16xi32>, vector<16xi32>], vector<16xf32>,
        %get3A_111 = arith.index_cast %add3A_87 : i32 to index
        %get3A_112 = arith.constant 16 : index
        %get3A_113 = tpu.vector_load %arg8[%get3A_111, %get3A_112] {strides = array<i32>} : memref<32x128xi32, #tpu.memory_space<vmem>>, vector<16xi32>,
        %shift_right_logical3A_114 = arith.constant 7 : i32
        %shift_right_logical3A_115 = vector.broadcast %shift_right_logical3A_114 : i32 to vector<16xi32>
        %shift_right_logical3A_116 = arith.shrui %get3A_113, %shift_right_logical3A_115 : vector<16xi32>
        %and3A_117 = arith.constant 127 : i32
        %and3A_118 = vector.broadcast %and3A_117 : i32 to vector<16xi32>
        %and3A_119 = arith.andi %get3A_113, %and3A_118 : vector<16xi32>
        tpu.vector_store_idx %arg16[%shift_right_logical3A_116, %and3A_119], %broadcast_in_dim3A_17 {add = true} : memref<16x128xf32, #tpu.memory_space<vmem>>[vector<16xi32>, vector<16xi32>], vector<16xf32>,
        %get3A_120 = arith.index_cast %add3A_87 : i32 to index
        %get3A_121 = arith.constant 32 : index
        %get3A_122 = tpu.vector_load %arg8[%get3A_120, %get3A_121] {strides = array<i32>} : memref<32x128xi32, #tpu.memory_space<vmem>>, vector<16xi32>,
        %shift_right_logical3A_123 = arith.constant 7 : i32
        %shift_right_logical3A_124 = vector.broadcast %shift_right_logical3A_123 : i32 to vector<16xi32>
        %shift_right_logical3A_125 = arith.shrui %get3A_122, %shift_right_logical3A_124 : vector<16xi32>
        %and3A_126 = arith.constant 127 : i32
        %and3A_127 = vector.broadcast %and3A_126 : i32 to vector<16xi32>
        %and3A_128 = arith.andi %get3A_122, %and3A_127 : vector<16xi32>
        tpu.vector_store_idx %arg16[%shift_right_logical3A_125, %and3A_128], %broadcast_in_dim3A_17 {add = true} : memref<16x128xf32, #tpu.memory_space<vmem>>[vector<16xi32>, vector<16xi32>], vector<16xf32>,
        %get3A_129 = arith.index_cast %add3A_87 : i32 to index
        %get3A_130 = arith.constant 48 : index
        %get3A_131 = tpu.vector_load %arg8[%get3A_129, %get3A_130] {strides = array<i32>} : memref<32x128xi32, #tpu.memory_space<vmem>>, vector<16xi32>,
        %shift_right_logical3A_132 = arith.constant 7 : i32
        %shift_right_logical3A_133 = vector.broadcast %shift_right_logical3A_132 : i32 to vector<16xi32>
        %shift_right_logical3A_134 = arith.shrui %get3A_131, %shift_right_logical3A_133 : vector<16xi32>
        %and3A_135 = arith.constant 127 : i32
        %and3A_136 = vector.broadcast %and3A_135 : i32 to vector<16xi32>
        %and3A_137 = arith.andi %get3A_131, %and3A_136 : vector<16xi32>
        tpu.vector_store_idx %arg16[%shift_right_logical3A_134, %and3A_137], %broadcast_in_dim3A_17 {add = true} : memref<16x128xf32, #tpu.memory_space<vmem>>[vector<16xi32>, vector<16xi32>], vector<16xf32>,
        %get3A_138 = arith.index_cast %add3A_87 : i32 to index
        %get3A_139 = arith.constant 64 : index
        %get3A_140 = tpu.vector_load %arg8[%get3A_138, %get3A_139] {strides = array<i32>} : memref<32x128xi32, #tpu.memory_space<vmem>>, vector<16xi32>,
        %shift_right_logical3A_141 = arith.constant 7 : i32
        %shift_right_logical3A_142 = vector.broadcast %shift_right_logical3A_141 : i32 to vector<16xi32>
        %shift_right_logical3A_143 = arith.shrui %get3A_140, %shift_right_logical3A_142 : vector<16xi32>
        %and3A_144 = arith.constant 127 : i32
        %and3A_145 = vector.broadcast %and3A_144 : i32 to vector<16xi32>
        %and3A_146 = arith.andi %get3A_140, %and3A_145 : vector<16xi32>
        tpu.vector_store_idx %arg16[%shift_right_logical3A_143, %and3A_146], %broadcast_in_dim3A_17 {add = true} : memref<16x128xf32, #tpu.memory_space<vmem>>[vector<16xi32>, vector<16xi32>], vector<16xf32>,
        %get3A_147 = arith.index_cast %add3A_87 : i32 to index
        %get3A_148 = arith.constant 80 : index
        %get3A_149 = tpu.vector_load %arg8[%get3A_147, %get3A_148] {strides = array<i32>} : memref<32x128xi32, #tpu.memory_space<vmem>>, vector<16xi32>,
        %shift_right_logical3A_150 = arith.constant 7 : i32
        %shift_right_logical3A_151 = vector.broadcast %shift_right_logical3A_150 : i32 to vector<16xi32>
        %shift_right_logical3A_152 = arith.shrui %get3A_149, %shift_right_logical3A_151 : vector<16xi32>
        %and3A_153 = arith.constant 127 : i32
        %and3A_154 = vector.broadcast %and3A_153 : i32 to vector<16xi32>
        %and3A_155 = arith.andi %get3A_149, %and3A_154 : vector<16xi32>
        tpu.vector_store_idx %arg16[%shift_right_logical3A_152, %and3A_155], %broadcast_in_dim3A_17 {add = true} : memref<16x128xf32, #tpu.memory_space<vmem>>[vector<16xi32>, vector<16xi32>], vector<16xf32>,
        %get3A_156 = arith.index_cast %add3A_87 : i32 to index
        %get3A_157 = arith.constant 96 : index
        %get3A_158 = tpu.vector_load %arg8[%get3A_156, %get3A_157] {strides = array<i32>} : memref<32x128xi32, #tpu.memory_space<vmem>>, vector<16xi32>,
        %shift_right_logical3A_159 = arith.constant 7 : i32
        %shift_right_logical3A_160 = vector.broadcast %shift_right_logical3A_159 : i32 to vector<16xi32>
        %shift_right_logical3A_161 = arith.shrui %get3A_158, %shift_right_logical3A_160 : vector<16xi32>
        %and3A_162 = arith.constant 127 : i32
        %and3A_163 = vector.broadcast %and3A_162 : i32 to vector<16xi32>
        %and3A_164 = arith.andi %get3A_158, %and3A_163 : vector<16xi32>
        tpu.vector_store_idx %arg16[%shift_right_logical3A_161, %and3A_164], %broadcast_in_dim3A_17 {add = true} : memref<16x128xf32, #tpu.memory_space<vmem>>[vector<16xi32>, vector<16xi32>], vector<16xf32>,
        %get3A_165 = arith.index_cast %add3A_87 : i32 to index
        %get3A_166 = arith.constant 112 : index
        %get3A_167 = tpu.vector_load %arg8[%get3A_165, %get3A_166] {strides = array<i32>} : memref<32x128xi32, #tpu.memory_space<vmem>>, vector<16xi32>,
        %shift_right_logical3A_168 = arith.constant 7 : i32
        %shift_right_logical3A_169 = vector.broadcast %shift_right_logical3A_168 : i32 to vector<16xi32>
        %shift_right_logical3A_170 = arith.shrui %get3A_167, %shift_right_logical3A_169 : vector<16xi32>
        %and3A_171 = arith.constant 127 : i32
        %and3A_172 = vector.broadcast %and3A_171 : i32 to vector<16xi32>
        %and3A_173 = arith.andi %get3A_167, %and3A_172 : vector<16xi32>
        tpu.vector_store_idx %arg16[%shift_right_logical3A_170, %and3A_173], %broadcast_in_dim3A_17 {add = true} : memref<16x128xf32, #tpu.memory_space<vmem>>[vector<16xi32>, vector<16xi32>], vector<16xf32>,
        %dma_wait3A_174 = arith.constant 0 : i32
        %dma_wait3A_175 = tpu.memref_slice %arg8[%add3A_87, %dma_wait3A_174] : memref<32x128xi32, #tpu.memory_space<vmem>> -> memref<1x128xi32, #tpu.memory_space<vmem>>
        %dma_wait3A_176 = tpu.memref_squeeze %dma_wait3A_175 : memref<1x128xi32, #tpu.memory_space<vmem>> -> memref<128xi32, #tpu.memory_space<vmem>>
        %dma_wait3A_177 = arith.constant 0 : i32
        %dma_wait3A_178 = arith.constant 0 : i32
        %dma_wait3A_179 = tpu.memref_slice %arg18[%dma_wait3A_177, %dma_wait3A_178] : memref<1024x128xf32, #tpu.memory_space<vmem_shared>> -> memref<1024x128xf32, #tpu.memory_space<vmem_shared>>
        tpu.wait_indirect_dma semaphore(%arg27 : memref<!tpu.dma_semaphore, #tpu.memory_space<semaphore_mem>>) src(%arg12 : memref<128x128xf32, #tpu.memory_space<vmem>>) dst(%dma_wait3A_179 : memref<1024x128xf32, #tpu.memory_space<vmem_shared>>)
        %add3A_180 = arith.constant 4 : i32
        %add3A_181 = arith.addi %add3A_87, %add3A_180 : i32
        %lt3A_182 = arith.cmpi slt, %add3A_181, %min3A_4 : i32
        %convert_element_type3A_183 = arith.extui %lt3A_182 : i1 to i32
        %cond3A_184 = arith.constant 0 : i32
        %cond3A_185 = arith.cmpi ne, %convert_element_type3A_183, %cond3A_184 : i32
        scf.if %cond3A_185 {
          %add3A_186 = arith.addi %mul3A_2, %add3A_87 : i32
          %add3A_187 = arith.constant 4 : i32
          %add3A_188 = arith.addi %add3A_186, %add3A_187 : i32
          %mul3A_189 = arith.constant 128 : i32
          %mul3A_190 = arith.muli %add3A_188, %mul3A_189 : i32
          %dma_start3A_191 = arith.constant 0 : i32
          %dma_start3A_192 = tpu.memref_slice %arg2[%mul3A_190, %dma_start3A_191] : memref<100000x128xf32, #tpu.memory_space<hbm>> -> memref<128x128xf32, #tpu.memory_space<hbm>>
          %dma_start3A_193 = arith.constant 0 : i32
          %dma_start3A_194 = tpu.memref_slice %arg2[%mul3A_190, %dma_start3A_193] : memref<100000x128xf32, #tpu.memory_space<hbm>> -> memref<128x128xf32, #tpu.memory_space<hbm>>
          tpu.enqueue_dma source(%dma_start3A_194 : memref<128x128xf32, #tpu.memory_space<hbm>>) target(%arg12 : memref<128x128xf32, #tpu.memory_space<vmem>>) target_semaphore(%arg23 : memref<!tpu.dma_semaphore, #tpu.memory_space<semaphore_mem>>)
        } else {
        }
      } else {
      }
    }
    %scan3A_42 = arith.constant 7 : i32
    %eq3A_43 = arith.constant 31 : i32
    %eq3A_44 = arith.cmpi eq, %add3A, %eq3A_43 : i32
    %convert_element_type3A_45 = arith.extui %eq3A_44 : i1 to i32
    %cond3A_46 = arith.constant 0 : i32
    %cond3A_47 = arith.cmpi ne, %convert_element_type3A_45, %cond3A_46 : i32
    scf.if %cond3A_47 {
      "tpu.region"() ({
        %run_scoped3A = tpu.sem_alloc : memref<!tpu.dma_semaphore, #tpu.memory_space<semaphore_mem>>
        %dma_start3A_79 = arith.constant 99968 : i32
        %dma_start3A_80 = tpu.memref_slice %arg4[%dma_start3A_79] : memref<100000xi32, #tpu.memory_space<hbm>> -> memref<32xi32, #tpu.memory_space<hbm>>
        %dma_start3A_81 = arith.constant 99968 : i32
        %dma_start3A_82 = tpu.memref_slice %arg4[%dma_start3A_81] : memref<100000xi32, #tpu.memory_space<hbm>> -> memref<32xi32, #tpu.memory_space<hbm>>
        tpu.enqueue_dma source(%dma_start3A_82 : memref<32xi32, #tpu.memory_space<hbm>>) target(%arg14 : memref<32xi32, #tpu.memory_space<vmem>>) target_semaphore(%run_scoped3A : memref<!tpu.dma_semaphore, #tpu.memory_space<semaphore_mem>>)
        %dma_wait3A_83 = arith.constant 99968 : i32
        %dma_wait3A_84 = tpu.memref_slice %arg4[%dma_wait3A_83] : memref<100000xi32, #tpu.memory_space<hbm>> -> memref<32xi32, #tpu.memory_space<hbm>>
        %dma_wait3A_85 = arith.constant 99968 : i32
        %dma_wait3A_86 = tpu.memref_slice %arg4[%dma_wait3A_85] : memref<100000xi32, #tpu.memory_space<hbm>> -> memref<32xi32, #tpu.memory_space<hbm>>
        tpu.wait_dma2 semaphore(%run_scoped3A : memref<!tpu.dma_semaphore, #tpu.memory_space<semaphore_mem>>) src(%dma_wait3A_86 : memref<32xi32, #tpu.memory_space<hbm>>) dst(%arg14 : memref<32xi32, #tpu.memory_space<vmem>>)
        tpu.yield
      }) : () -> ()
      "tpu.region"() ({
        %run_scoped3A = tpu.sem_alloc : memref<!tpu.dma_semaphore, #tpu.memory_space<semaphore_mem>>
        %dma_start3A_79 = arith.constant 99968 : i32
        %dma_start3A_80 = arith.constant 0 : i32
        %dma_start3A_81 = tpu.memref_slice %arg2[%dma_start3A_79, %dma_start3A_80] : memref<100000x128xf32, #tpu.memory_space<hbm>> -> memref<32x128xf32, #tpu.memory_space<hbm>>
        %dma_start3A_82 = arith.constant 99968 : i32
        %dma_start3A_83 = arith.constant 0 : i32
        %dma_start3A_84 = tpu.memref_slice %arg2[%dma_start3A_82, %dma_start3A_83] : memref<100000x128xf32, #tpu.memory_space<hbm>> -> memref<32x128xf32, #tpu.memory_space<hbm>>
        tpu.enqueue_dma source(%dma_start3A_84 : memref<32x128xf32, #tpu.memory_space<hbm>>) target(%arg15 : memref<32x128xf32, #tpu.memory_space<vmem>>) target_semaphore(%run_scoped3A : memref<!tpu.dma_semaphore, #tpu.memory_space<semaphore_mem>>)
        %dma_wait3A_85 = arith.constant 99968 : i32
        %dma_wait3A_86 = arith.constant 0 : i32
        %dma_wait3A_87 = tpu.memref_slice %arg2[%dma_wait3A_85, %dma_wait3A_86] : memref<100000x128xf32, #tpu.memory_space<hbm>> -> memref<32x128xf32, #tpu.memory_space<hbm>>
        %dma_wait3A_88 = arith.constant 99968 : i32
        %dma_wait3A_89 = arith.constant 0 : i32
        %dma_wait3A_90 = tpu.memref_slice %arg2[%dma_wait3A_88, %dma_wait3A_89] : memref<100000x128xf32, #tpu.memory_space<hbm>> -> memref<32x128xf32, #tpu.memory_space<hbm>>
        tpu.wait_dma2 semaphore(%run_scoped3A : memref<!tpu.dma_semaphore, #tpu.memory_space<semaphore_mem>>) src(%dma_wait3A_90 : memref<32x128xf32, #tpu.memory_space<hbm>>) dst(%arg15 : memref<32x128xf32, #tpu.memory_space<vmem>>)
        tpu.yield
      }) : () -> ()
      %dma_start3A_60 = arith.constant 0 : i32
      %dma_start3A_61 = arith.constant 0 : i32
      %dma_start3A_62 = tpu.memref_slice %arg18[%dma_start3A_60, %dma_start3A_61] : memref<1024x128xf32, #tpu.memory_space<vmem_shared>> -> memref<1024x128xf32, #tpu.memory_space<vmem_shared>>
      tpu.enqueue_indirect_dma source(%arg15 : memref<32x128xf32, #tpu.memory_space<vmem>>) target(%dma_start3A_62 : memref<1024x128xf32, #tpu.memory_space<vmem_shared>>) offsets(%arg14 : memref<32xi32, #tpu.memory_space<vmem>>) semaphore(%arg24 : memref<!tpu.dma_semaphore, #tpu.memory_space<semaphore_mem>>) {add = true}
      %get3A = arith.constant 0 : index
      %get3A_63 = tpu.vector_load %arg14[%get3A] {strides = array<i32>} : memref<32xi32, #tpu.memory_space<vmem>>, vector<16xi32>,
      %shift_right_logical3A = arith.constant 7 : i32
      %shift_right_logical3A_64 = vector.broadcast %shift_right_logical3A : i32 to vector<16xi32>
      %shift_right_logical3A_65 = arith.shrui %get3A_63, %shift_right_logical3A_64 : vector<16xi32>
      %and3A = arith.constant 127 : i32
      %and3A_66 = vector.broadcast %and3A : i32 to vector<16xi32>
      %and3A_67 = arith.andi %get3A_63, %and3A_66 : vector<16xi32>
      tpu.vector_store_idx %arg16[%shift_right_logical3A_65, %and3A_67], %broadcast_in_dim3A_17 {add = true} : memref<16x128xf32, #tpu.memory_space<vmem>>[vector<16xi32>, vector<16xi32>], vector<16xf32>,
      %get3A_68 = arith.constant 16 : index
      %get3A_69 = tpu.vector_load %arg14[%get3A_68] {strides = array<i32>} : memref<32xi32, #tpu.memory_space<vmem>>, vector<16xi32>,
      %shift_right_logical3A_70 = arith.constant 7 : i32
      %shift_right_logical3A_71 = vector.broadcast %shift_right_logical3A_70 : i32 to vector<16xi32>
      %shift_right_logical3A_72 = arith.shrui %get3A_69, %shift_right_logical3A_71 : vector<16xi32>
      %and3A_73 = arith.constant 127 : i32
      %and3A_74 = vector.broadcast %and3A_73 : i32 to vector<16xi32>
      %and3A_75 = arith.andi %get3A_69, %and3A_74 : vector<16xi32>
      tpu.vector_store_idx %arg16[%shift_right_logical3A_72, %and3A_75], %broadcast_in_dim3A_17 {add = true} : memref<16x128xf32, #tpu.memory_space<vmem>>[vector<16xi32>, vector<16xi32>], vector<16xf32>,
      %dma_wait3A_76 = arith.constant 0 : i32
      %dma_wait3A_77 = arith.constant 0 : i32
      %dma_wait3A_78 = tpu.memref_slice %arg18[%dma_wait3A_76, %dma_wait3A_77] : memref<1024x128xf32, #tpu.memory_space<vmem_shared>> -> memref<1024x128xf32, #tpu.memory_space<vmem_shared>>
      tpu.wait_indirect_dma semaphore(%arg24 : memref<!tpu.dma_semaphore, #tpu.memory_space<semaphore_mem>>) src(%arg15 : memref<32x128xf32, #tpu.memory_space<vmem>>) dst(%dma_wait3A_78 : memref<1024x128xf32, #tpu.memory_space<vmem_shared>>)
    } else {
    }
    %dma_start3A = arith.constant 0 : i32
    %dma_start3A_48 = arith.constant 0 : i32
    %dma_start3A_49 = tpu.memref_slice %arg19[%dma_start3A, %dma_start3A_48] : memref<16x128xf32, #tpu.memory_space<vmem_shared>> -> memref<16x128xf32, #tpu.memory_space<vmem_shared>>
    tpu.enqueue_indirect_dma source(%arg16 : memref<16x128xf32, #tpu.memory_space<vmem>>) target(%dma_start3A_49 : memref<16x128xf32, #tpu.memory_space<vmem_shared>>) offsets(%arg17 : memref<16xi32, #tpu.memory_space<vmem>>) semaphore(%arg28 : memref<!tpu.dma_semaphore, #tpu.memory_space<semaphore_mem>>) {add = true}
    %dma_wait3A = arith.constant 0 : i32
    %dma_wait3A_50 = arith.constant 0 : i32
    %dma_wait3A_51 = tpu.memref_slice %arg19[%dma_wait3A, %dma_wait3A_50] : memref<16x128xf32, #tpu.memory_space<vmem_shared>> -> memref<16x128xf32, #tpu.memory_space<vmem_shared>>
    tpu.wait_indirect_dma semaphore(%arg28 : memref<!tpu.dma_semaphore, #tpu.memory_space<semaphore_mem>>) src(%arg16 : memref<16x128xf32, #tpu.memory_space<vmem>>) dst(%dma_wait3A_51 : memref<16x128xf32, #tpu.memory_space<vmem_shared>>)
    %barrier3A_52 = arith.constant 0 : index
    tpu.barrier barrier_id(%barrier3A_52)
    %mul3A_53 = arith.constant 64 : i32
    %mul3A_54 = arith.muli %arg1, %mul3A_53 : i32
    "tpu.region"() ({
      %run_scoped3A = tpu.sem_alloc : memref<!tpu.dma_semaphore, #tpu.memory_space<semaphore_mem>>
      %dma_start3A_60 = arith.constant 0 : i32
      %dma_start3A_61 = tpu.memref_slice %arg18[%mul3A_54, %dma_start3A_60] : memref<1024x128xf32, #tpu.memory_space<vmem_shared>> -> memref<64x128xf32, #tpu.memory_space<vmem_shared>>
      %dma_start3A_62 = arith.constant 0 : i32
      %dma_start3A_63 = tpu.memref_slice %arg18[%mul3A_54, %dma_start3A_62] : memref<1024x128xf32, #tpu.memory_space<vmem_shared>> -> memref<64x128xf32, #tpu.memory_space<vmem_shared>>
      tpu.enqueue_dma source(%dma_start3A_63 : memref<64x128xf32, #tpu.memory_space<vmem_shared>>) target(%arg13 : memref<64x128xf32, #tpu.memory_space<vmem>>) target_semaphore(%run_scoped3A : memref<!tpu.dma_semaphore, #tpu.memory_space<semaphore_mem>>)
      %dma_wait3A_64 = arith.constant 0 : i32
      %dma_wait3A_65 = tpu.memref_slice %arg18[%mul3A_54, %dma_wait3A_64] : memref<1024x128xf32, #tpu.memory_space<vmem_shared>> -> memref<64x128xf32, #tpu.memory_space<vmem_shared>>
      %dma_wait3A_66 = arith.constant 0 : i32
      %dma_wait3A_67 = tpu.memref_slice %arg18[%mul3A_54, %dma_wait3A_66] : memref<1024x128xf32, #tpu.memory_space<vmem_shared>> -> memref<64x128xf32, #tpu.memory_space<vmem_shared>>
      tpu.wait_dma2 semaphore(%run_scoped3A : memref<!tpu.dma_semaphore, #tpu.memory_space<semaphore_mem>>) src(%dma_wait3A_67 : memref<64x128xf32, #tpu.memory_space<vmem_shared>>) dst(%arg13 : memref<64x128xf32, #tpu.memory_space<vmem>>)
      tpu.yield
    }) : () -> ()
    "tpu.region"() ({
      %run_scoped3A = tpu.sem_alloc : memref<!tpu.dma_semaphore, #tpu.memory_space<semaphore_mem>>
      %dma_start3A_60 = arith.constant 0 : i32
      %dma_start3A_61 = tpu.memref_slice %arg6[%arg0, %mul3A_54, %dma_start3A_60] : memref<2x1024x128xf32, #tpu.memory_space<hbm>> -> memref<1x64x128xf32, #tpu.memory_space<hbm>>
      %dma_start3A_62 = tpu.memref_squeeze %dma_start3A_61 : memref<1x64x128xf32, #tpu.memory_space<hbm>> -> memref<64x128xf32, #tpu.memory_space<hbm>>
      %dma_start3A_63 = arith.constant 0 : i32
      %dma_start3A_64 = tpu.memref_slice %arg6[%arg0, %mul3A_54, %dma_start3A_63] : memref<2x1024x128xf32, #tpu.memory_space<hbm>> -> memref<1x64x128xf32, #tpu.memory_space<hbm>>
      %dma_start3A_65 = tpu.memref_squeeze %dma_start3A_64 : memref<1x64x128xf32, #tpu.memory_space<hbm>> -> memref<64x128xf32, #tpu.memory_space<hbm>>
      tpu.enqueue_dma source(%arg13 : memref<64x128xf32, #tpu.memory_space<vmem>>) target(%dma_start3A_65 : memref<64x128xf32, #tpu.memory_space<hbm>>) target_semaphore(%run_scoped3A : memref<!tpu.dma_semaphore, #tpu.memory_space<semaphore_mem>>)
      %dma_wait3A_66 = arith.constant 0 : i32
      %dma_wait3A_67 = tpu.memref_slice %arg6[%arg0, %mul3A_54, %dma_wait3A_66] : memref<2x1024x128xf32, #tpu.memory_space<hbm>> -> memref<1x64x128xf32, #tpu.memory_space<hbm>>
      %dma_wait3A_68 = tpu.memref_squeeze %dma_wait3A_67 : memref<1x64x128xf32, #tpu.memory_space<hbm>> -> memref<64x128xf32, #tpu.memory_space<hbm>>
      %dma_wait3A_69 = arith.constant 0 : i32
      %dma_wait3A_70 = tpu.memref_slice %arg6[%arg0, %mul3A_54, %dma_wait3A_69] : memref<2x1024x128xf32, #tpu.memory_space<hbm>> -> memref<1x64x128xf32, #tpu.memory_space<hbm>>
      %dma_wait3A_71 = tpu.memref_squeeze %dma_wait3A_70 : memref<1x64x128xf32, #tpu.memory_space<hbm>> -> memref<64x128xf32, #tpu.memory_space<hbm>>
      tpu.wait_dma2 semaphore(%run_scoped3A : memref<!tpu.dma_semaphore, #tpu.memory_space<semaphore_mem>>) src(%arg13 : memref<64x128xf32, #tpu.memory_space<vmem>>) dst(%dma_wait3A_71 : memref<64x128xf32, #tpu.memory_space<hbm>>)
      tpu.yield
    }) : () -> ()
    %eq3A_55 = arith.constant 0 : i32
    %eq3A_56 = arith.cmpi eq, %arg1, %eq3A_55 : i32
    %convert_element_type3A_57 = arith.extui %eq3A_56 : i1 to i32
    %cond3A_58 = arith.constant 0 : i32
    %cond3A_59 = arith.cmpi ne, %convert_element_type3A_57, %cond3A_58 : i32
    scf.if %cond3A_59 {
      "tpu.region"() ({
        %run_scoped3A = tpu.sem_alloc : memref<!tpu.dma_semaphore, #tpu.memory_space<semaphore_mem>>
        tpu.enqueue_dma source(%arg19 : memref<16x128xf32, #tpu.memory_space<vmem_shared>>) target(%arg16 : memref<16x128xf32, #tpu.memory_space<vmem>>) target_semaphore(%run_scoped3A : memref<!tpu.dma_semaphore, #tpu.memory_space<semaphore_mem>>)
        tpu.wait_dma2 semaphore(%run_scoped3A : memref<!tpu.dma_semaphore, #tpu.memory_space<semaphore_mem>>) src(%arg19 : memref<16x128xf32, #tpu.memory_space<vmem_shared>>) dst(%arg16 : memref<16x128xf32, #tpu.memory_space<vmem>>)
        tpu.yield
      }) : () -> ()
      "tpu.region"() ({
        %run_scoped3A = tpu.sem_alloc : memref<!tpu.dma_semaphore, #tpu.memory_space<semaphore_mem>>
        %dma_start3A_60 = arith.constant 0 : i32
        %dma_start3A_61 = arith.constant 0 : i32
        %dma_start3A_62 = tpu.memref_slice %arg7[%arg0, %dma_start3A_60, %dma_start3A_61] : memref<2x16x128xf32, #tpu.memory_space<hbm>> -> memref<1x16x128xf32, #tpu.memory_space<hbm>>
        %dma_start3A_63 = tpu.memref_squeeze %dma_start3A_62 : memref<1x16x128xf32, #tpu.memory_space<hbm>> -> memref<16x128xf32, #tpu.memory_space<hbm>>
        %dma_start3A_64 = arith.constant 0 : i32
        %dma_start3A_65 = arith.constant 0 : i32
        %dma_start3A_66 = tpu.memref_slice %arg7[%arg0, %dma_start3A_64, %dma_start3A_65] : memref<2x16x128xf32, #tpu.memory_space<hbm>> -> memref<1x16x128xf32, #tpu.memory_space<hbm>>
        %dma_start3A_67 = tpu.memref_squeeze %dma_start3A_66 : memref<1x16x128xf32, #tpu.memory_space<hbm>> -> memref<16x128xf32, #tpu.memory_space<hbm>>
        tpu.enqueue_dma source(%arg16 : memref<16x128xf32, #tpu.memory_space<vmem>>) target(%dma_start3A_67 : memref<16x128xf32, #tpu.memory_space<hbm>>) target_semaphore(%run_scoped3A : memref<!tpu.dma_semaphore, #tpu.memory_space<semaphore_mem>>)
        %dma_wait3A_68 = arith.constant 0 : i32
        %dma_wait3A_69 = arith.constant 0 : i32
        %dma_wait3A_70 = tpu.memref_slice %arg7[%arg0, %dma_wait3A_68, %dma_wait3A_69] : memref<2x16x128xf32, #tpu.memory_space<hbm>> -> memref<1x16x128xf32, #tpu.memory_space<hbm>>
        %dma_wait3A_71 = tpu.memref_squeeze %dma_wait3A_70 : memref<1x16x128xf32, #tpu.memory_space<hbm>> -> memref<16x128xf32, #tpu.memory_space<hbm>>
        %dma_wait3A_72 = arith.constant 0 : i32
        %dma_wait3A_73 = arith.constant 0 : i32
        %dma_wait3A_74 = tpu.memref_slice %arg7[%arg0, %dma_wait3A_72, %dma_wait3A_73] : memref<2x16x128xf32, #tpu.memory_space<hbm>> -> memref<1x16x128xf32, #tpu.memory_space<hbm>>
        %dma_wait3A_75 = tpu.memref_squeeze %dma_wait3A_74 : memref<1x16x128xf32, #tpu.memory_space<hbm>> -> memref<16x128xf32, #tpu.memory_space<hbm>>
        tpu.wait_dma2 semaphore(%run_scoped3A : memref<!tpu.dma_semaphore, #tpu.memory_space<semaphore_mem>>) src(%arg16 : memref<16x128xf32, #tpu.memory_space<vmem>>) dst(%dma_wait3A_75 : memref<16x128xf32, #tpu.memory_space<hbm>>)
        tpu.yield
      }) : () -> ()
    } else {
    }
    return
  }
}

module attributes {stable_mosaic.version = 14 : i64} {
  func.func @_combine_body(%arg0: memref<2x1024x128xf32, #tpu.memory_space<vmem>>, %arg1: memref<2x1024x1xf32, #tpu.memory_space<vmem>>, %arg2: memref<1024x128xf32, #tpu.memory_space<vmem>>) attributes {dimension_semantics = [], scalar_prefetch = 0 : i64, scratch_operands = 0 : i64, tpu.core_type = #tpu.core_type<tc>} {
    %get3A = arith.constant 0 : index
    %get3A_0 = arith.constant 0 : index
    %get3A_1 = arith.constant 0 : index
    %get3A_2 = vector.load %arg0[%get3A, %get3A_0, %get3A_1] : memref<2x1024x128xf32, #tpu.memory_space<vmem>>, vector<1x1024x128xf32>
    %get3A_3 = vector.shape_cast %get3A_2 : vector<1x1024x128xf32> to vector<1024x128xf32>
    %get3A_4 = arith.constant 1 : index
    %get3A_5 = arith.constant 0 : index
    %get3A_6 = arith.constant 0 : index
    %get3A_7 = vector.load %arg0[%get3A_4, %get3A_5, %get3A_6] : memref<2x1024x128xf32, #tpu.memory_space<vmem>>, vector<1x1024x128xf32>
    %get3A_8 = vector.shape_cast %get3A_7 : vector<1x1024x128xf32> to vector<1024x128xf32>
    %add3A = arith.addf %get3A_3, %get3A_8 : vector<1024x128xf32>
    %get3A_9 = arith.constant 0 : index
    %get3A_10 = arith.constant 0 : index
    %get3A_11 = arith.constant 0 : index
    %get3A_12 = vector.load %arg1[%get3A_9, %get3A_10, %get3A_11] : memref<2x1024x1xf32, #tpu.memory_space<vmem>>, vector<1x1024x1xf32>
    %get3A_13 = vector.shape_cast %get3A_12 : vector<1x1024x1xf32> to vector<1024x1xf32>
    %get3A_14 = arith.constant 1 : index
    %get3A_15 = arith.constant 0 : index
    %get3A_16 = arith.constant 0 : index
    %get3A_17 = vector.load %arg1[%get3A_14, %get3A_15, %get3A_16] : memref<2x1024x1xf32, #tpu.memory_space<vmem>>, vector<1x1024x1xf32>
    %get3A_18 = vector.shape_cast %get3A_17 : vector<1x1024x1xf32> to vector<1024x1xf32>
    %add3A_19 = arith.addf %get3A_13, %get3A_18 : vector<1024x1xf32>
    %max3A = arith.constant 1.000000e+00 : f32
    %max3A_20 = vector.broadcast %max3A : f32 to vector<1024x1xf32>
    %max3A_21 = arith.maximumf %add3A_19, %max3A_20 : vector<1024x1xf32>
    %div3A = vector.broadcast %max3A_21 : vector<1024x1xf32> to vector<1024x128xf32>
    %div3A_22 = arith.divf %add3A, %div3A : vector<1024x128xf32>
    %swap3A = arith.constant 0 : index
    %swap3A_23 = arith.constant 0 : index
    %swap3A_24 = vector.load %arg2[%swap3A, %swap3A_23] : memref<1024x128xf32, #tpu.memory_space<vmem>>, vector<1024x128xf32>
    tpu.vector_store %arg2[%swap3A, %swap3A_23], %div3A_22 {strides = array<i32>} : memref<1024x128xf32, #tpu.memory_space<vmem>>, vector<1024x128xf32>,
    return
  }
}

</mosaic_0001>

<sc_bundles>
// kernel: kernel.4.cloned.1.call-start
scs
__scs_entry_jumppad:
0x0: {  	(pc) =	sbr.rel $0x88, $3  }
0x1: {  	(tag) =	ssettag $0x0;
	lr =	simm.s32 $0x1  }
0x2: {  	[smem:$0x3F9F] =	sst lr;
	_ =	strace $0xD0000000  }
0x3: {  	_ = 	snop  }
0x4: {  	_ = 	snop  }
0x5: {  	_ = 	snop  }
0x6: {  	_ = 	snop  }
0x7: {  	_ = 	snop  }
__scs_overlays_trampoline_lowered:
0x8: {  	[smem:$0x3FAE] =	sst s0  }
0x9: {  	[smem:$0x3FAF] =	sst s1  }
0xa: {  	[smem:$0x3FB0] =	sst s2  }
0xb: {  	[smem:$0x3FB1] =	sst s3  }
0xc: {  	[smem:$0x3FB2] =	sst s4  }
0xd: {  	[smem:$0x3FB3] =	sst s5  }
0xe: {  	[smem:$0x3FB4] =	sst s6  }
0xf: {  	[smem:$0x3FB5] =	sst s7  }
0x10: {  	[smem:$0x3FB6] =	sst s8  }
0x11: {  	[smem:$0x3FB7] =	sst s9;
	s0 =	simm.s32 @!p0 $0x0  }
0x12: {  	s1 =	sld [smem:$0x3F9D];
	s0 =	simm.s32 @p0 $0x1  }
0x13: {  	[smem:$0x3FB8] =	sst s0;
	s0 =	simm.s32 @!p1 $0x0  }
0x14: {  	s2 =	sld [smem:$0x3F9C];
	s0 =	simm.s32 @p1 $0x1  }
0x15: {  	[smem:$0x3FB9] =	sst s0;
	s0 =	simm.s32 @!p2 $0x0  }
0x16: {  	s3 =	sld [smem:$0x3FDB];
	s0 =	simm.s32 @p2 $0x1  }
0x17: {  	s4 =	simm.s32 $0x1BF5;
	[smem:$0x3FBB] =	sst s0  }
0x18: {  	s0 =	sld [smem:$0x3F9E];
	_ =	swait.ge [sflag:s4], $0x0  }
0x19: {  	s7 =	sld [smem:$0x3F9F]  }
0x1a: {  	s8 =	sadd.s32 $0xFFFFE003, lr  }
0x1b: {  	s9 =	sadd.s32 $0xFFFFFEF7, lr;
	s5 =	simm.s32 $0xFFFFFFFF;
	p2 =	slt.u32 s8, $0xFFFFF086  }
0x1c: {  	p1 =	slt.u32 s9, $0xF7A;
	s5 =	simm.s32 @!p2 $0x0  }
0x1d: {  	s5 =	simm.s32 @p1 $0x1;
	p0 =	seq.s32 s7, s2  }
0x1e: {  	s7 =	smul.u32 @!p0 $0xF7A, s2;
	p2 =	seq.s32 @!p0 s5, $0x0  }
0x1f: {  	s9 =	smul.u32 $0xF7A, s1;
	s8 =	simm.s32 @!p0 $0x1BF5;
	p2 =	por !p2, p0  }
0x20: {  	[sflag:s8] =	ssyncset.s32 @!p0 $0xFFFFF086;
	s6 =	sadd.s32 @!p0 s3, s7;
	s7 =	simm.s32 @!p0 $0x108  }
0x21: {  	s3 =	sadd.s32 s3, s9;
	s6 =	sadd.s32 @!p0 $0x88, s6;
	s7 =	simm.s32 @p2 $0x1082  }
0x22: {  	[simem:s7], [sflag:s8] =	dma.local @!p0 [hbm:s6], $0xF7A  }
0x23: {  	s9 =	sor.u32 $0xD0000000, s2;
	s6 =	simm.s32 $0x108;
	_ =	swait.ge @!p0 [sflag:s8], $0x0  }
0x24: {  	s3 =	sadd.s32 $0x88, s3;
	s6 =	simm.s32 @!p1 $0x1082;
	[sflag:s4] =	ssyncset.s32 $0xFFFFF086  }
0x25: {  	[simem:s6], [sflag:s4] =	dma.local [hbm:s3], $0xF7A  }
0x26: {  	[smem:$0x3F9F] =	sst s1;
	(tag) =	ssettag s2;
	_ =	strace s9  }
0x27: {  	s1 =	sld [smem:$0x3FAF]  }
0x28: {  	s2 =	sld [smem:$0x3FB0]  }
0x29: {  	s4 =	sld [smem:$0x3FB2]  }
0x2a: {  	p0 =	seq.s32 s5, $0x0;
	s5 =	sld [smem:$0x3FB3]  }
0x2b: {  	s6 =	sld [smem:$0x3FB4]  }
0x2c: {  	s7 =	sld [smem:$0x3FB5]  }
0x2d: {  	s3 =	simm.s32 $0x108;
	s8 =	sld [smem:$0x3FB6]  }
0x2e: {  	s3 =	simm.s32 @!p0 $0x1082;
	s9 =	sld [smem:$0x3FB7]  }
0x2f: {  	lr =	sadd.s32 s0, s3;
	s0 =	sld [smem:$0x3FAE]  }
0x30: {  	s3 =	sld [smem:$0x3FB1]  }
0x31: {  	[smem:$0x3FBA] =	sst s10  }
0x32: {  	s10 =	sld [smem:$0x3FB8];
	_ =	sdelay $0x3  }
0x33: {  	p0 =	seq.s32 s10, $0x1;
	s10 =	sld [smem:$0x3FBA];
	_ =	sdelay $0x3  }
0x34: {  	[smem:$0x3FBA] =	sst s10  }
0x35: {  	s10 =	sld [smem:$0x3FB9];
	_ =	sdelay $0x3  }
0x36: {  	p1 =	seq.s32 s10, $0x1;
	s10 =	sld [smem:$0x3FBA];
	_ =	sdelay $0x3  }
0x37: {  	[smem:$0x3FBA] =	sst s10  }
0x38: {  	s10 =	sld [smem:$0x3FBB]  }
0x39: {  	_ = 	snop;
	(pc) =	sbr.ind lr, $3  }
0x3a: {  	_ = 	snop  }
0x3b: {  	_ = 	snop  }
0x3c: {  	p2 =	seq.s32 s10, $0x1;
	s10 =	sld [smem:$0x3FBA]  }
0x3d: {  	_ =	shalt  }
0x3e: {  	_ =	shalt  }
0x3f: {  	_ =	shalt  }
0x40: {  	_ =	shalt  }
0x41: {  	_ =	shalt  }
0x42: {  	_ =	shalt  }
0x43: {  	_ =	shalt  }
0x44: {  	_ =	shalt  }
0x45: {  	_ =	shalt  }
0x46: {  	_ =	shalt  }
0x47: {  	_ =	shalt  }
0x48: {  	_ =	shalt  }
0x49: {  	_ =	shalt  }
0x4a: {  	_ =	shalt  }
0x4b: {  	_ =	shalt  }
0x4c: {  	_ =	shalt  }
0x4d: {  	_ =	shalt  }
0x4e: {  	_ =	shalt  }
0x4f: {  	_ =	shalt  }
0x50: {  	_ =	shalt  }
0x51: {  	_ =	shalt  }
0x52: {  	_ =	shalt  }
0x53: {  	_ =	shalt  }
0x54: {  	_ =	shalt  }
0x55: {  	_ =	shalt  }
0x56: {  	_ =	shalt  }
0x57: {  	_ =	shalt  }
0x58: {  	_ =	shalt  }
0x59: {  	_ =	shalt  }
0x5a: {  	_ =	shalt  }
0x5b: {  	_ =	shalt  }
0x5c: {  	_ =	shalt  }
0x5d: {  	_ =	shalt  }
0x5e: {  	_ =	shalt  }
0x5f: {  	_ =	shalt  }
0x60: {  	_ =	shalt  }
0x61: {  	_ =	shalt  }
0x62: {  	_ =	shalt  }
0x63: {  	_ =	shalt  }
0x64: {  	_ =	shalt  }
0x65: {  	_ =	shalt  }
0x66: {  	_ =	shalt  }
0x67: {  	_ =	shalt  }
0x68: {  	_ =	shalt  }
0x69: {  	_ =	shalt  }
0x6a: {  	_ =	shalt  }
0x6b: {  	_ =	shalt  }
0x6c: {  	_ =	shalt  }
0x6d: {  	_ =	shalt  }
0x6e: {  	_ =	shalt  }
0x6f: {  	_ =	shalt  }
0x70: {  	_ =	shalt  }
0x71: {  	_ =	shalt  }
0x72: {  	_ =	shalt  }
0x73: {  	_ =	shalt  }
0x74: {  	_ =	shalt  }
0x75: {  	_ =	shalt  }
0x76: {  	_ =	shalt  }
0x77: {  	_ =	shalt  }
0x78: {  	_ =	shalt  }
0x79: {  	_ =	shalt  }
0x7a: {  	_ =	shalt  }
0x7b: {  	_ =	shalt  }
0x7c: {  	_ =	shalt  }
0x7d: {  	_ =	shalt  }
0x7e: {  	_ =	shalt  }
0x7f: {  	_ =	shalt  }
0x80: {  	_ =	shalt  }
0x81: {  	_ =	shalt  }
0x82: {  	_ =	shalt  }
0x83: {  	_ =	shalt  }
0x84: {  	_ =	shalt  }
0x85: {  	_ =	shalt  }
0x86: {  	_ =	shalt  }
0x87: {  	_ =	shalt  }
.Lfunc_end0:
.L_simem_size_0:
called_computation_lowered:
.L_overlay_start_0:
0x88: {  	s2 =	sld [smem:$0x3FD9]  }
0x89: {  	s3 =	sld [smem:$0x3FFE];
	_ =	sdelay $0x1  }
0x8a: {  	s1 =	srdreg.scid  }
0x8b: {  	s0 =	sand.u32 $0x1, s1  }
0x8c: {  	s17 =	sshll.u32 s0, $0xA;
	s2 =	sadd.s32 s3, s2  }
0x8d: {  	s2 =	sadd.s32 s2, s17  }
0x8e: {  	[smem:$0x3FC6] =	sst s2  }
0x8f: {  	_ = 	snop  }
0x90: {  	s2 =	sld [smem:$0x3FC9]  }
0x91: {  	s18 =	sld [smem:$0x3FC8]  }
0x92: {  	s4 =	sld [smem:$0x3FD0];
	(tm) =	ssettm $0x1  }
0x93: {  	s5 =	sld [smem:$0x3FFB];
	_ =	sdelay $0x3  }
0x94: {  	_ =	strace s5  }
0x95: {  	s5 =	sld [smem:$0x3FFC];
	_ =	sdelay $0x3  }
0x96: {  	_ =	strace s5  }
0x97: {  	s5 =	sld [smem:$0x3FFD];
	_ =	sdelay $0x3  }
0x98: {  	_ =	strace s5  }
0x99: {  	_ =	strace $0x8FFFFFFF  }
0x9a: {  	s19 =	sld [smem:$0x3FDB];
	_ =	sdelay $0x1  }
0x9b: {  	s6 =	simm.s32 $_scs_section_size  }
0x9c: {  	s7 =	simm.s32 $_size__tile_overlayer_lowered;
	s8 =	simm.s32 $_tile_overlayer_lowered  }
0x9d: {  	s22 =	simm.s32 $0x1BFF;
	s21 =	sshll.u32 s8, $0x1;
	s5 =	sadd.s32 s6, s19  }
0x9e: {  	s9 =	simm.s32 $0x0;
	s20 =	sshll.u32 s7, $0x1;
	s7 =	sadd.s32 s21, s5  }
0x9f: {  	[timem:s9], [sflag:s22] =	dma.local [hbm:s7], s20  }
0xa0: {  	_ =	swait.ge [sflag:s22], s20  }
0xa1: {  	s6 =	ssub.s32 $0x0, s20;
	[sflag:s22] =	ssyncset.done $0x0  }
0xa2: {  	[sflag:s22] =	ssyncadd.s32 s6;
	_ =	sdelay $0x1  }
0xa3: {  	s23 =	simm.s32 $0x1B8B  }
0xa4: {  	_ =	swait.ge [sflag:s23], $0x1  }
0xa5: {  	[sflag:s23] =	ssyncset.done $0x0  }
0xa6: {  	s25 =	simm.s32 $0x1B8E;
	s24 =	sld [smem:$0x3FFE];
	[sflag:s23] =	ssyncadd.s32 $0xFFFFFFFF  }
0xa7: {  	s26 =	simm.s32 $execute0_lowered;
	[smem:$0x3FD2] =	sst s25  }
0xa8: {  	s7 =	sshll.u32 s26, $0x1;
	_ =	strace $0x80000046;
	[dreg:$0x1] =	wrdreg $0xFFFFFFFF  }
0xa9: {  	s28 =	simm.s32 $_size_execute0_lowered;
	s5 =	sadd.s32 s5, s7;
	[dreg:$0x0] =	wrdreg $0x0  }
0xaa: {  	s7 =	sshll.u32 s28, $0x1;
	[dreg:$0x2] =	wrdreg s5  }
0xab: {  	[dreg:$0x3] =	wrdreg s7  }
0xac: {  	[dreg:$0x4] =	wrdreg $0xC0  }
0xad: {  	_ =	task [dreg:s9], $0x5FFFF  }
0xae: {  	[dreg:$0x1] =	wrdreg $0xFFFFFFFF  }
0xaf: {  	[dreg:$0x0] =	wrdreg $0x60  }
0xb0: {  	[dreg:$0x2] =	wrdreg s2  }
0xb1: {  	[dreg:$0x3] =	wrdreg s4  }
0xb2: {  	[dreg:$0x4] =	wrdreg s18  }
0xb3: {  	[dreg:$0x5] =	wrdreg s24  }
0xb4: {  	[dreg:$0x6] =	wrdreg $0x149000  }
0xb5: {  	[dreg:$0x7] =	wrdreg $0x169000  }
0xb6: {  	[dreg:$0x8] =	wrdreg $0x9  }
0xb7: {  	_ =	task.clear_ibuf [dreg:s9], $0x9FFFF;
	_ =	strace $0x90000046  }
0xb8: {  	s29 =	simm.s32 $0x9;
	_ =	strace $0x80000048  }
0xb9: {  	_ =	swait.ge [sflag:s29], $0x1  }
0xba: {  	[sflag:s29] =	ssyncadd.s32 $0xFFFFFFFF  }
0xbb: {  	_ =	strace $0x90000048  }
0xbc: {  	_ =	sfence  }
0xbd: {  	s30 =	sld [smem:$0x0];
	_ =	sdelay $0x2  }
0xbe: {  	s31 =	sshll.u32 s1, $0xD;
	s1 =	sshrl.u32 s1, $0x2  }
0xbf: {  	s3 =	sand.u32 $0x4000, s31;
	s1 =	sadd.s32 s1, s30  }
0xc0: {  	s0 =	sor.u32 s3, s0;
	s1 =	sshll.u32 s1, $0x11  }
0xc1: {  	s0 =	sor.u32 s1, s0  }
0xc2: {  	s0 =	sadd.s32 $0x8F2B, s0  }
0xc3: {  	[sflag:s0] =	ssyncadd.remote.s32 $0x1  }
0xc4: {  	_ =	sfence.sel $0xFFFF  }
0xc5: {  	[dreg:$0x0] =	wrdreg $0xFFFFFFFF;
	(pc) =	sbr.abs _section_cstart, $3  }
0xc6: {  	[dreg:$0x1] =	wrdreg $0xFFFFFFFF  }
0xc7: {  	_ =	task.clear_ibuf [dreg:s9], $0x2FFFF;
	_ =	strace $0x9FFFFFFF  }
0xc8: {  	(tm) =	ssettm $0x7FFFFFFF  }
0xc9: {  	_ =	shalt  }
tec
execute0_lowered:
.L_overlay_start_1:
0x0: {  	(tag) =	ssettag $0x1  }
0x1: {  	s0 =	rddreg [dreg:$0x0]  }
0x2: {  	s6 =	rddreg [dreg:$0x1]  }
0x3: {  	s12 =	rddreg [dreg:$0x2]  }
0x4: {  	s5 =	rddreg [dreg:$0x3]  }
0x5: {  	s1 =	rddreg [dreg:$0x4]  }
0x6: {  	s2 =	rddreg [dreg:$0x5];
	s4 =	srdreg.scid;
	s3 =	simm.s32 $0x0  }
0x7: {  	s17 =	stileid.u32;
	s28 =	simm.s32 $0x9;
	s29 =	simm.s32 $0x0  }
0x8: {  	s13 =	sand.u32 $0x1, s4;
	[smem:$0x7FF] =	sst s3;
	s7 =	sshll.u32 s17, $0xA  }
0x9: {  	s31 =	sshll.u32 s17, $0xD;
	s12 =	sadd.s32 $0x30D0, s12;
	s20 =	smul.u32 $0xC800, s17  }
0xa: {  	p0 =	sne.s32 s17, $0x0;
	s4 =	sshll.u32 s13, $0x4;
	_ =	strace $0x80000047  }
0xb: {  	s14 =	sadd.s32 s7, s5;
	s23 =	sshll.u32 s13, $0x8;
	s9 =	ssub.s32 $0x2, s13  }
0xc: {  	s7 =	sadd.s32 s31, s1;
	s18 =	smul.u32 $0xC8000, s13;
	s19 =	sshll.u32 s13, $0xE  }
0xd: {  	s13 =	sadd.s32 $0x186800, s0;
	s24 =	sor.u32 s17, s4;
	s4 =	sadd.s32 $0xA00, s5  }
0xe: {  	s10 =	sshrl.u32 s9, $0x1;
	s15 =	sadd.s32 s23, s5;
	s14 =	sadd.s32 s19, s14  }
0xf: {  	s19 =	simm.s32 $0x11000;
	s23 =	simm.s32 $0xD000;
	s8 =	smul.u32 $0x19, s24  }
0x10: {  	s11 =	smul.u32 $0x64000, s24;
	s16 =	ssub.s32 s9, s10;
	s25 =	sshll.u32 s24, $0x9  }
0x11: {  	s26 =	smul.u32 $0xC800, s24;
	s14 =	sadd.s32 $0x1000, s14;
	s15 =	sadd.s32 $0xE00, s15  }
0x12: {  	p1 =	sne.s32 s24, $0x1F;
	s24 =	simm.s32 $0x10;
	s6 =	sadd.s32 s6, s25  }
0x13: {  	s16 =	smax.u32 s16, $0x1;
	s8 =	ssub.s32 $0x30D, s8;
	s30 =	sshrl.u32 s11, $0x3  }
0x14: {  	s25 =	simm.s32 $0x14880;
	s5 =	smin.u32 s8, $0x19;
	s11 =	sadd.s32 s0, s30  }
0x15: {  	s8 =	sadd.s32 s0, s26;
	s0 =	sadd.s32 s18, s0;
	s18 =	simm.s32 $0xA  }
0x16: {  	s26 =	simm.s32 $0x14080;
	s9 =	sadd.s32 $0x800, s11;
	s0 =	sadd.s32 s20, s0  }
0x17: {  	v0 =	vimm.f32 $0.0e+00;
	v1 =	vlaneseq.u32;
	s10 =	sadd.s32 $0x1000, s11;
	s11 =	sadd.s32 $0x1800, s11;
	s0 =	sadd.s32 $0x2000, s0  }
.LBB2_1:
0x18: {  	[tilespmem:s3], [sflag:$0xA] =	stream.linear.gather [hbm4b:s6+s3], $0x1000, $0x38;
	[tilespmem:$0x16980] =	vst v63  }
0x19: {  	_ =	swait.ge [sflag:s18], $0x1000  }
0x1a: {  	[sflag:s18] =	ssyncset.done $0x0  }
0x1b: {  	s17 =	simm.s32 $0x0;
	s30 =	simm.s32 $0x200;
	[sflag:s18] =	ssyncadd.s32 $0xFFFFF000  }
.LBB2_2:
0x1c: {  	p2 =	sne.s32 s30, $0x1E00;
	[tilespmem:s17+$0x140F0] =	vst v0  }
0x1d: {  	[tilespmem:s17+$0x14080] =	vst v0  }
0x1e: {  	[tilespmem:s17+$0x14090] =	vst v0  }
.Ltmp0:
0x1f: {  	[tilespmem:s17+$0x140A0] =	vst v0;
	(pc) =	sbr.rel @p2 .LBB2_2-.Ltmp0, $4  }
0x20: {  	[tilespmem:s17+$0x140B0] =	vst v0  }
0x21: {  	[tilespmem:s17+$0x140C0] =	vst v0  }
0x22: {  	[tilespmem:s17+$0x140D0] =	vst v0  }
0x23: {  	[tilespmem:s17+$0x140E0] =	vst v0;
	s17 =	sshra.s32 s30, $0x2;
	s30 =	sadd.s32 $0x200, s30  }
0x24: {  	[tilespmem:s17+$0x140F0] =	vst v0  }
0x25: {  	[tilespmem:s17+$0x14080] =	vst v0  }
0x26: {  	[tilespmem:s17+$0x14090] =	vst v0  }
0x27: {  	[tilespmem:s17+$0x140A0] =	vst v0  }
0x28: {  	[tilespmem:s17+$0x140B0] =	vst v0  }
0x29: {  	[tilespmem:s17+$0x140C0] =	vst v0  }
0x2a: {  	[tilespmem:s17+$0x140D0] =	vst v0  }
0x2b: {  	[tilespmem:s17+$0x140E0] =	vst v0  }
0x2c: {  	[tilespmem:s19], [sflag:$0xA] =	stream.linear.gather [hbm4b:s4+s3], $0x2000, $0x38;
	[tilespmem:$0x16980] =	vst v63  }
0x2d: {  	_ =	swait.ge [sflag:s18], $0x2000  }
0x2e: {  	[sflag:s18] =	ssyncset.done $0x0  }
0x2f: {  	[sflag:s18] =	ssyncadd.s32 $0xFFFFE000  }
0x30: {  	[spmem:s7] =	stream.linear.scatter [tilespmem:s19], [sflag:$0xA], $0x2000, $0x38;
	[tilespmem:$0x16980] =	vst v63  }
0x31: {  	_ =	swait.ge [sflag:s18], $0x2000  }
0x32: {  	[sflag:s18] =	ssyncset.done $0x0  }
0x33: {  	s17 =	simm.s32 @!p0 $0x14080;
	[sflag:s18] =	ssyncadd.s32 $0xFFFFE000  }
0x34: {  	[spmem:s2] =	stream.linear.scatter @!p0 [tilespmem:s17], [sflag:$0xA], $0x800, $0x38;
	[tilespmem:$0x16980] =	vst v63  }
0x35: {  	s17 =	simm.s32 @!p0 $0xA  }
0x36: {  	_ =	swait.ge @!p0 [sflag:s17], $0x800  }
0x37: {  	[sflag:s17] =	ssyncset.done @!p0 $0x0  }
0x38: {  	[sflag:s17] =	ssyncadd.s32 @!p0 $0xFFFFF800  }
0x39: {  	[tilespmem:$0x14880] =	vst v1  }
0x3a: {  	s30 =	simm.s32 $0x0;
	s20 =	simm.s32 $0x1000;
	[bflag:$0x0] =	sbarrier.arrive $0xFFFF  }
0x3b: {  	[tilespmem:s20], [sflag:$0x1] =	stream.linear.gather [hbm4b:s8+s30], $0x4000, $0x38;
	[tilespmem:$0x16980] =	vst v63  }
0x3c: {  	s21 =	simm.s32 $0x5000  }
0x3d: {  	[tilespmem:s21], [sflag:$0x2] =	stream.linear.gather [hbm4b:s9+s30], $0x4000, $0x38;
	[tilespmem:$0x16980] =	vst v63  }
0x3e: {  	s22 =	simm.s32 $0x9000  }
0x3f: {  	[tilespmem:s22], [sflag:$0x3] =	stream.linear.gather [hbm4b:s10+s30], $0x4000, $0x38;
	[tilespmem:$0x16980] =	vst v63  }
0x40: {  	s31 =	simm.s32 $0x1F0;
	s17 =	smov.u32 s0  }
0x41: {  	[tilespmem:s23], [sflag:$0x4] =	stream.linear.gather [hbm4b:s11+s30], $0x4000, $0x38;
	[tilespmem:$0x16980] =	vst v63  }
.LBB2_4:
0x42: {  	p2 =	sge.u32 s30, s5  }
0x43: {  	s20 =	simm.s32 @!p2 $0x1  }
0x44: {  	_ =	swait.ge @!p2 [sflag:s20], $0x4000  }
0x45: {  	s21 =	simm.s32 @!p2 $0x80;
	[sflag:s20] =	ssyncset.done @!p2 $0x0  }
0x46: {  	s22 =	simm.s32 @!p2 $0x1000;
	[sflag:s20] =	ssyncadd.s32 @!p2 $0xFFFFC000;
	s20 =	sadd.s32 @!p2 $0xFFFFFE10, s31  }
0x47: {  	[spmem:s1] =	stream.indirect.scatter.add.f32 @!p2 [tilespmem:s22], [sflag:$0x5], $0x80, s20, s21, $0xb8;
	[tilespmem:$0x16980] =	vst v63  }
0x48: {  	v2 =	vld @!p2 [tilespmem:s31+$0xFFFFFE10];
	_ =	sdelay $0x6  }
0x49: {  	v3 =	vimm.f32 @!p2 $1.000000000e+00;
	s20 =	simm.s32 @!p2 $0x14080  }
0x4a: {  	[tilespmem:v2+s20+$0x0] =	vst.idx.add.f32.msk @!p2 $0xffff, v3  }
0x4b: {  	v2 =	vld @!p2 [tilespmem:s31+$0xFFFFFE20];
	_ =	sdelay $0x7  }
0x4c: {  	[tilespmem:v2+s20+$0x0] =	vst.idx.add.f32.msk @!p2 $0xffff, v3  }
0x4d: {  	v2 =	vld @!p2 [tilespmem:s31+$0xFFFFFE30];
	_ =	sdelay $0x7  }
0x4e: {  	[tilespmem:v2+s20+$0x0] =	vst.idx.add.f32.msk @!p2 $0xffff, v3  }
0x4f: {  	v2 =	vld @!p2 [tilespmem:s31+$0xFFFFFE40];
	_ =	sdelay $0x7  }
0x50: {  	[tilespmem:v2+s20+$0x0] =	vst.idx.add.f32.msk @!p2 $0xffff, v3  }
0x51: {  	v2 =	vld @!p2 [tilespmem:s31+$0xFFFFFE50];
	_ =	sdelay $0x7  }
0x52: {  	[tilespmem:v2+s20+$0x0] =	vst.idx.add.f32.msk @!p2 $0xffff, v3  }
0x53: {  	v2 =	vld @!p2 [tilespmem:s31+$0xFFFFFE60];
	_ =	sdelay $0x7  }
0x54: {  	[tilespmem:v2+s20+$0x0] =	vst.idx.add.f32.msk @!p2 $0xffff, v3  }
0x55: {  	v2 =	vld @!p2 [tilespmem:s31+$0xFFFFFE70];
	_ =	sdelay $0x7  }
0x56: {  	[tilespmem:v2+s20+$0x0] =	vst.idx.add.f32.msk @!p2 $0xffff, v3  }
0x57: {  	v2 =	vld @!p2 [tilespmem:s31+$0xFFFFFE80];
	_ =	sdelay $0x6  }
0x58: {  	s21 =	sadd.s32 @!p2 $0x4, s30  }
0x59: {  	p3 =	sge.u32 @!p2 s21, s5;
	[tilespmem:v2+s20+$0x0] =	vst.idx.add.f32.msk @!p2 $0xffff, v3;
	s20 =	simm.s32 @!p2 $0x5  }
0x5a: {  	p3 =	por p3, p2;
	_ =	swait.ge @!p2 [sflag:s20], $0x4000  }
0x5b: {  	s22 =	sadd.s32 $0x1, s30;
	s21 =	simm.s32 @!p3 $0x1000;
	[sflag:s20] =	ssyncset.done @!p2 $0x0  }
0x5c: {  	[sflag:s20] =	ssyncadd.s32 @!p2 $0xFFFFC000;
	s20 =	simm.s32 @!p3 $0x0;
	p2 =	sge.u32 s22, s5  }
0x5d: {  	[tilespmem:s21], [sflag:$0x1] =	stream.linear.gather @!p3 [hbm4b:s17+s20], $0x4000, $0x38;
	[tilespmem:$0x16980] =	vst v63  }
0x5e: {  	s20 =	simm.s32 @!p2 $0x2  }
0x5f: {  	_ =	swait.ge @!p2 [sflag:s20], $0x4000  }
0x60: {  	s21 =	simm.s32 @!p2 $0x80;
	[sflag:s20] =	ssyncset.done @!p2 $0x0  }
0x61: {  	s22 =	simm.s32 @!p2 $0x5000;
	[sflag:s20] =	ssyncadd.s32 @!p2 $0xFFFFC000;
	s20 =	sadd.s32 @!p2 $0xFFFFFE90, s31  }
0x62: {  	[spmem:s1] =	stream.indirect.scatter.add.f32 @!p2 [tilespmem:s22], [sflag:$0x6], $0x80, s20, s21, $0xb8;
	[tilespmem:$0x16980] =	vst v63  }
0x63: {  	v2 =	vld @!p2 [tilespmem:s31+$0xFFFFFE90];
	_ =	sdelay $0x6  }
0x64: {  	v3 =	vimm.f32 @!p2 $1.000000000e+00;
	s20 =	simm.s32 @!p2 $0x14080  }
0x65: {  	[tilespmem:v2+s20+$0x0] =	vst.idx.add.f32.msk @!p2 $0xffff, v3  }
0x66: {  	v2 =	vld @!p2 [tilespmem:s31+$0xFFFFFEA0];
	_ =	sdelay $0x7  }
0x67: {  	[tilespmem:v2+s20+$0x0] =	vst.idx.add.f32.msk @!p2 $0xffff, v3  }
0x68: {  	v2 =	vld @!p2 [tilespmem:s31+$0xFFFFFEB0];
	_ =	sdelay $0x7  }
0x69: {  	[tilespmem:v2+s20+$0x0] =	vst.idx.add.f32.msk @!p2 $0xffff, v3  }
0x6a: {  	v2 =	vld @!p2 [tilespmem:s31+$0xFFFFFEC0];
	_ =	sdelay $0x7  }
0x6b: {  	[tilespmem:v2+s20+$0x0] =	vst.idx.add.f32.msk @!p2 $0xffff, v3  }
0x6c: {  	v2 =	vld @!p2 [tilespmem:s31+$0xFFFFFED0];
	_ =	sdelay $0x7  }
0x6d: {  	[tilespmem:v2+s20+$0x0] =	vst.idx.add.f32.msk @!p2 $0xffff, v3  }
0x6e: {  	v2 =	vld @!p2 [tilespmem:s31+$0xFFFFFEE0];
	_ =	sdelay $0x7  }
0x6f: {  	[tilespmem:v2+s20+$0x0] =	vst.idx.add.f32.msk @!p2 $0xffff, v3  }
0x70: {  	v2 =	vld @!p2 [tilespmem:s31+$0xFFFFFEF0];
	_ =	sdelay $0x7  }
0x71: {  	[tilespmem:v2+s20+$0x0] =	vst.idx.add.f32.msk @!p2 $0xffff, v3  }
0x72: {  	v2 =	vld @!p2 [tilespmem:s31+$0xFFFFFF00];
	_ =	sdelay $0x7  }
0x73: {  	[tilespmem:v2+s20+$0x0] =	vst.idx.add.f32.msk @!p2 $0xffff, v3;
	s20 =	simm.s32 @!p2 $0x6  }
0x74: {  	s21 =	sadd.s32 @!p2 $0x5, s30;
	_ =	swait.ge @!p2 [sflag:s20], $0x4000  }
0x75: {  	p3 =	sge.u32 @!p2 s21, s5;
	[sflag:s20] =	ssyncset.done @!p2 $0x0  }
0x76: {  	[sflag:s20] =	ssyncadd.s32 @!p2 $0xFFFFC000;
	p2 =	por p3, p2  }
0x77: {  	s20 =	sadd.s32 @!p2 $0x800, s17;
	s21 =	simm.s32 @!p2 $0x0;
	s22 =	simm.s32 @!p2 $0x5000  }
0x78: {  	[tilespmem:s22], [sflag:$0x2] =	stream.linear.gather @!p2 [hbm4b:s20+s21], $0x4000, $0x38;
	[tilespmem:$0x16980] =	vst v63  }
0x79: {  	s21 =	sadd.s32 $0x2, s30  }
0x7a: {  	p2 =	sge.u32 s21, s5  }
0x7b: {  	s20 =	simm.s32 @!p2 $0x3  }
0x7c: {  	_ =	swait.ge @!p2 [sflag:s20], $0x4000  }
0x7d: {  	s21 =	simm.s32 @!p2 $0x80;
	[sflag:s20] =	ssyncset.done @!p2 $0x0  }
0x7e: {  	s22 =	simm.s32 @!p2 $0x9000;
	[sflag:s20] =	ssyncadd.s32 @!p2 $0xFFFFC000;
	s20 =	sadd.s32 @!p2 $0xFFFFFF10, s31  }
0x7f: {  	[spmem:s1] =	stream.indirect.scatter.add.f32 @!p2 [tilespmem:s22], [sflag:$0x7], $0x80, s20, s21, $0xb8;
	[tilespmem:$0x16980] =	vst v63  }
0x80: {  	v2 =	vld @!p2 [tilespmem:s31+$0xFFFFFF10];
	_ =	sdelay $0x6  }
0x81: {  	v3 =	vimm.f32 @!p2 $1.000000000e+00;
	s20 =	simm.s32 @!p2 $0x14080  }
0x82: {  	[tilespmem:v2+s20+$0x0] =	vst.idx.add.f32.msk @!p2 $0xffff, v3  }
0x83: {  	v2 =	vld @!p2 [tilespmem:s31+$0xFFFFFF20];
	_ =	sdelay $0x7  }
0x84: {  	[tilespmem:v2+s20+$0x0] =	vst.idx.add.f32.msk @!p2 $0xffff, v3  }
0x85: {  	v2 =	vld @!p2 [tilespmem:s31+$0xFFFFFF30];
	_ =	sdelay $0x7  }
0x86: {  	[tilespmem:v2+s20+$0x0] =	vst.idx.add.f32.msk @!p2 $0xffff, v3  }
0x87: {  	v2 =	vld @!p2 [tilespmem:s31+$0xFFFFFF40];
	_ =	sdelay $0x7  }
0x88: {  	[tilespmem:v2+s20+$0x0] =	vst.idx.add.f32.msk @!p2 $0xffff, v3  }
0x89: {  	v2 =	vld @!p2 [tilespmem:s31+$0xFFFFFF50];
	_ =	sdelay $0x7  }
0x8a: {  	[tilespmem:v2+s20+$0x0] =	vst.idx.add.f32.msk @!p2 $0xffff, v3  }
0x8b: {  	v2 =	vld @!p2 [tilespmem:s31+$0xFFFFFF60];
	_ =	sdelay $0x7  }
0x8c: {  	[tilespmem:v2+s20+$0x0] =	vst.idx.add.f32.msk @!p2 $0xffff, v3  }
0x8d: {  	v2 =	vld @!p2 [tilespmem:s31+$0xFFFFFF70];
	_ =	sdelay $0x7  }
0x8e: {  	[tilespmem:v2+s20+$0x0] =	vst.idx.add.f32.msk @!p2 $0xffff, v3  }
0x8f: {  	v2 =	vld @!p2 [tilespmem:s31+$0xFFFFFF80];
	_ =	sdelay $0x7  }
0x90: {  	[tilespmem:v2+s20+$0x0] =	vst.idx.add.f32.msk @!p2 $0xffff, v3;
	s20 =	simm.s32 @!p2 $0x7  }
0x91: {  	s21 =	sadd.s32 @!p2 $0x6, s30;
	_ =	swait.ge @!p2 [sflag:s20], $0x4000  }
0x92: {  	p3 =	sge.u32 @!p2 s21, s5;
	[sflag:s20] =	ssyncset.done @!p2 $0x0  }
0x93: {  	[sflag:s20] =	ssyncadd.s32 @!p2 $0xFFFFC000;
	p2 =	por p3, p2  }
0x94: {  	s20 =	sadd.s32 @!p2 $0x1000, s17;
	s21 =	simm.s32 @!p2 $0x0;
	s22 =	simm.s32 @!p2 $0x9000  }
0x95: {  	[tilespmem:s22], [sflag:$0x3] =	stream.linear.gather @!p2 [hbm4b:s20+s21], $0x4000, $0x38;
	[tilespmem:$0x16980] =	vst v63  }
0x96: {  	s22 =	sadd.s32 $0x3, s30  }
0x97: {  	p2 =	sge.u32 s22, s5  }
0x98: {  	s20 =	simm.s32 @!p2 $0x4  }
0x99: {  	_ =	swait.ge @!p2 [sflag:s20], $0x4000  }
0x9a: {  	s21 =	simm.s32 @!p2 $0x80;
	[sflag:s20] =	ssyncset.done @!p2 $0x0  }
0x9b: {  	s22 =	simm.s32 @!p2 $0xD000;
	[sflag:s20] =	ssyncadd.s32 @!p2 $0xFFFFC000;
	s20 =	sadd.s32 @!p2 $0xFFFFFF90, s31  }
0x9c: {  	[spmem:s1] =	stream.indirect.scatter.add.f32 @!p2 [tilespmem:s22], [sflag:$0x8], $0x80, s20, s21, $0xb8;
	[tilespmem:$0x16980] =	vst v63  }
0x9d: {  	v2 =	vld @!p2 [tilespmem:s31+$0xFFFFFF90];
	_ =	sdelay $0x6  }
0x9e: {  	v3 =	vimm.f32 @!p2 $1.000000000e+00;
	s20 =	simm.s32 @!p2 $0x14080  }
0x9f: {  	[tilespmem:v2+s20+$0x0] =	vst.idx.add.f32.msk @!p2 $0xffff, v3  }
0xa0: {  	v2 =	vld @!p2 [tilespmem:s31+$0xFFFFFFA0];
	_ =	sdelay $0x7  }
0xa1: {  	[tilespmem:v2+s20+$0x0] =	vst.idx.add.f32.msk @!p2 $0xffff, v3  }
0xa2: {  	v2 =	vld @!p2 [tilespmem:s31+$0xFFFFFFB0];
	_ =	sdelay $0x7  }
0xa3: {  	[tilespmem:v2+s20+$0x0] =	vst.idx.add.f32.msk @!p2 $0xffff, v3  }
0xa4: {  	v2 =	vld @!p2 [tilespmem:s31+$0xFFFFFFC0];
	_ =	sdelay $0x7  }
0xa5: {  	[tilespmem:v2+s20+$0x0] =	vst.idx.add.f32.msk @!p2 $0xffff, v3  }
0xa6: {  	v2 =	vld @!p2 [tilespmem:s31+$0xFFFFFFD0];
	_ =	sdelay $0x7  }
0xa7: {  	[tilespmem:v2+s20+$0x0] =	vst.idx.add.f32.msk @!p2 $0xffff, v3  }
0xa8: {  	v2 =	vld @!p2 [tilespmem:s31+$0xFFFFFFE0];
	_ =	sdelay $0x7  }
0xa9: {  	[tilespmem:v2+s20+$0x0] =	vst.idx.add.f32.msk @!p2 $0xffff, v3  }
0xaa: {  	v2 =	vld @!p2 [tilespmem:s31+$0xFFFFFFF0];
	_ =	sdelay $0x7  }
0xab: {  	[tilespmem:v2+s20+$0x0] =	vst.idx.add.f32.msk @!p2 $0xffff, v3  }
0xac: {  	v2 =	vld @!p2 [tilespmem:s31+$0x0];
	_ =	sdelay $0x7  }
0xad: {  	[tilespmem:v2+s20+$0x0] =	vst.idx.add.f32.msk @!p2 $0xffff, v3;
	s20 =	simm.s32 @!p2 $0x8  }
0xae: {  	s21 =	sadd.s32 @!p2 $0x7, s30;
	_ =	swait.ge @!p2 [sflag:s20], $0x4000  }
0xaf: {  	p3 =	sge.u32 @!p2 s21, s5;
	[sflag:s20] =	ssyncset.done @!p2 $0x0  }
0xb0: {  	s30 =	sadd.s32 $0x4, s30;
	[sflag:s20] =	ssyncadd.s32 @!p2 $0xFFFFC000;
	p2 =	por p3, p2  }
0xb1: {  	s20 =	sadd.s32 @!p2 $0x1800, s17;
	s21 =	simm.s32 @!p2 $0x0;
	s22 =	simm.s32 @!p2 $0xD000  }
0xb2: {  	[tilespmem:s22], [sflag:$0x4] =	stream.linear.gather @!p2 [hbm4b:s20+s21], $0x4000, $0x38;
	[tilespmem:$0x16980] =	vst v63  }
0xb3: {  	p2 =	sne.s32 s30, $0x1C  }
.Ltmp1:
0xb4: {  	_ = 	snop;
	(pc) =	sbr.rel @p2 .LBB2_4-.Ltmp1, $2  }
0xb5: {  	_ =	sdelay $0x2  }
0xb6: {  	s31 =	sadd.s32 $0x200, s31;
	s17 =	sadd.s32 $0x2000, s17  }
0xb7: {  	s17 =	simm.s32 @!p1 $0x0;
	s20 =	simm.s32 @!p1 $0x13000;
	s21 =	simm.s32 @!p1 $0xA  }
0xb8: {  	[tilespmem:s20], [sflag:$0xA] =	stream.linear.gather @!p1 [hbm4b:s12+s17], $0x20, $0x38;
	[tilespmem:$0x16980] =	vst v63  }
0xb9: {  	_ =	swait.ge @!p1 [sflag:s21], $0x20  }
0xba: {  	[sflag:s21] =	ssyncset.done @!p1 $0x0  }
0xbb: {  	s22 =	simm.s32 @!p1 $0x13080;
	[sflag:s21] =	ssyncadd.s32 @!p1 $0xFFFFFFE0  }
0xbc: {  	[tilespmem:s22], [sflag:$0xA] =	stream.linear.gather @!p1 [hbm4b:s13+s17], $0x1000, $0x38;
	[tilespmem:$0x16980] =	vst v63  }
0xbd: {  	_ =	swait.ge @!p1 [sflag:s21], $0x1000  }
0xbe: {  	[sflag:s21] =	ssyncset.done @!p1 $0x0  }
0xbf: {  	s17 =	simm.s32 @!p1 $0x20;
	[sflag:s21] =	ssyncadd.s32 @!p1 $0xFFFFF000  }
0xc0: {  	[spmem:s1] =	stream.indirect.scatter.add.f32 @!p1 [tilespmem:s22], [sflag:$0x5], $0x80, s20, s17, $0xb8;
	[tilespmem:$0x16980] =	vst v63  }
0xc1: {  	v2 =	vld @!p1 [tilespmem:$0x13000];
	_ =	sdelay $0x6  }
0xc2: {  	v3 =	vimm.f32 @!p1 $1.000000000e+00;
	s17 =	simm.s32 @!p1 $0x14080  }
0xc3: {  	[tilespmem:v2+s17+$0x0] =	vst.idx.add.f32.msk @!p1 $0xffff, v3  }
0xc4: {  	v2 =	vld @!p1 [tilespmem:$0x13010];
	_ =	sdelay $0x7  }
0xc5: {  	[tilespmem:v2+s17+$0x0] =	vst.idx.add.f32.msk @!p1 $0xffff, v3;
	s17 =	simm.s32 @!p1 $0x5  }
0xc6: {  	_ =	swait.ge @!p1 [sflag:s17], $0x1000  }
0xc7: {  	[sflag:s17] =	ssyncset.done @!p1 $0x0  }
0xc8: {  	[sflag:s17] =	ssyncadd.s32 @!p1 $0xFFFFF000  }
0xc9: {  	[spmem:s2] =	stream.indirect.scatter.add.f32 [tilespmem:s26], [sflag:$0x9], $0x80, s25, s24, $0xb8;
	[tilespmem:$0x16980] =	vst v63  }
0xca: {  	_ =	swait.ge [sflag:s28], $0x800  }
0xcb: {  	[sflag:s28] =	ssyncset.done $0x0  }
0xcc: {  	[sflag:s28] =	ssyncadd.s32 $0xFFFFF800  }
0xcd: {  	[bflag:$0x0] =	sbarrier.arrive $0xFFFF  }
0xce: {  	[tilespmem:s19], [sflag:$0xA] =	stream.linear.gather [spmem:s7], $0x2000, $0x38;
	[tilespmem:$0x16980] =	vst v63  }
0xcf: {  	_ =	swait.ge [sflag:s18], $0x2000  }
0xd0: {  	[sflag:s18] =	ssyncset.done $0x0  }
0xd1: {  	[sflag:s18] =	ssyncadd.s32 $0xFFFFE000  }
0xd2: {  	[hbm4b:s14+s3] =	stream.linear.scatter [tilespmem:s19], [sflag:$0xA], $0x2000, $0x38;
	[tilespmem:$0x16980] =	vst v63  }
0xd3: {  	_ =	swait.ge [sflag:s18], $0x2000  }
0xd4: {  	[sflag:s18] =	ssyncset.done $0x0  }
0xd5: {  	s20 =	simm.s32 @!p0 $0xA;
	s17 =	simm.s32 @!p0 $0x14080;
	[sflag:s18] =	ssyncadd.s32 $0xFFFFE000  }
0xd6: {  	[tilespmem:s17], [sflag:$0xA] =	stream.linear.gather @!p0 [spmem:s2], $0x800, $0x38;
	[tilespmem:$0x16980] =	vst v63  }
0xd7: {  	s29 =	sadd.s32 $0x1, s29;
	_ =	swait.ge @!p0 [sflag:s20], $0x800  }
0xd8: {  	p2 =	sne.s32 s29, s16;
	[sflag:s20] =	ssyncset.done @!p0 $0x0  }
.Ltmp2:
0xd9: {  	s21 =	simm.s32 @!p0 $0x0;
	[sflag:s20] =	ssyncadd.s32 @!p0 $0xFFFFF800;
	(pc) =	sbr.rel @p2 .LBB2_1-.Ltmp2, $4  }
0xda: {  	[hbm4b:s15+s21] =	stream.linear.scatter @!p0 [tilespmem:s17], [sflag:$0xA], $0x800, $0x38;
	[tilespmem:$0x16980] =	vst v63  }
0xdb: {  	_ =	swait.ge @!p0 [sflag:s20], $0x800  }
0xdc: {  	[sflag:s20] =	ssyncset.done @!p0 $0x0  }
0xdd: {  	[sflag:s20] =	ssyncadd.s32 @!p0 $0xFFFFF800  }
0xde: {  	_ =	sfence.sel $0x180000  }
0xdf: {  	[bflag:$0x0] =	sbarrier.arrive $0xFFFF  }
0xe0: {  	_ =	strace $0x90000047  }
0xe1: {  	[bflag:$0x2] =	sbarrier.arrive $0xFFFF  }
0xe2: {  	s0 =	rddreg [dreg:$0x6]  }
0xe3: {  	s0 =	sadd.s32 @!p0 $0x100000, s0  }
0xe4: {  	[sflag:s0] =	ssyncadd.tile.s32 @!p0 $0x1;
	_ =	shalt  }
.Lfunc_end2:
_tile_overlayer_lowered:
.L_overlay_start_2:
0xe5: {  	(tag) =	ssettag $0x2  }
0xe6: {  	s0 =	rddreg [dreg:$0x0];
	s2 =	stileid.u32  }
0xe7: {  	s1 =	rddreg [dreg:$0x1];
	p0 =	sne.s32 s2, $0x0  }
0xe8: {  	s3 =	rddreg [dreg:$0x2];
	[bflag:$0x3] =	sbarrier.arrive $0xFFFF;
	s2 =	simm.s32 @!p0 $0x1C0A  }
0xe9: {  	[timem:s3], [sflag:s2] =	dma.local @!p0 [hbm:s0], s1  }
0xea: {  	s0 =	simm.s32 @!p0 $0xA  }
0xeb: {  	_ =	swait.ge @!p0 [sflag:s0], s1  }
0xec: {  	s1 =	ssub.s32 @!p0 $0x0, s1;
	[sflag:s0] =	ssyncset.done @!p0 $0x0  }
0xed: {  	[sflag:s0] =	ssyncadd.s32 @!p0 s1  }
0xee: {  	[bflag:$0x3] =	sbarrier.arrive $0xFFFF  }
0xef: {  	_ =	shalt  }

</sc_bundles>
